<compile_context>
chip_gen: v7x
topology: tpu7x:2x2x1
jax: 0.10.2.dev20260603
libtpu: 0.0.44.dev20260713+nightly
codegen_flags: <defaults>
</compile_context>

<pallas_src>
import jax
import jax.numpy as jnp
from jax import lax
from jax.experimental import pallas as pl
from jax.experimental.pallas import tpu as pltpu
from jax.experimental.pallas import tpu_sc as plsc

_NC = 2
_NS = 16
_NW = _NC * _NS
_LANES = 16

_IMGS = 8
_ROWS = 1024
_COLS = 1024
_N = _IMGS * _ROWS * _COLS

_SC_IMGS = 3
_TC_IMGS = _IMGS - _SC_IMGS

_CROWS = 16
_CPI = _ROWS // _CROWS
_NCHUNK = _SC_IMGS * _CPI // _NW
_VPR = _COLS // _LANES
_NBUF = 2


def _mismatch_body(gt_hbm, pred_hbm, out_hbm, gt_v0, gt_v1,
                   pred_v0, pred_v1, out_v, sem0, sem1):
    wid = lax.axis_index("s") * _NC + lax.axis_index("c")
    chunk0 = wid * _NCHUNK
    bufs = ((gt_v0, pred_v0, sem0), (gt_v1, pred_v1, sem1))

    def start(c, b):
        g, p, sem = bufs[b]
        cg = chunk0 + c
        img = cg // _CPI
        r = (cg % _CPI) * _CROWS
        pltpu.async_copy(gt_hbm.at[img, pl.ds(r, _CROWS), :], g, sem)
        pltpu.async_copy(pred_hbm.at[img, pl.ds(r, _CROWS), :], p, sem)

    def wait(b):
        g, p, sem = bufs[b]
        pltpu.make_async_copy(
            gt_hbm.at[0, pl.ds(0, _CROWS), :], g, sem).wait()
        pltpu.make_async_copy(
            pred_hbm.at[0, pl.ds(0, _CROWS), :], p, sem).wait()

    def compute(b, accs):
        g, p, _ = bufs[b]

        def col_body(j, a):
            a0, a1 = a
            q = j * _LANES
            for r in range(_CROWS):
                neq = g[r, pl.ds(q, _LANES)] != p[r, pl.ds(q, _LANES)]
                cnt = plsc.all_reduce_population_count(neq)
                if r % 2 == 0:
                    a0 = a0 + cnt
                else:
                    a1 = a1 + cnt
            return (a0, a1)

        return lax.fori_loop(0, _VPR, col_body, accs)

    start(0, 0)

    def outer(o, accs):
        for b in range(_NBUF):
            c = o * _NBUF + b

            @pl.when(c + 1 < _NCHUNK)
            def _():
                start(c + 1, 1 - b)

            wait(b)
            accs = compute(b, accs)
        return accs

    zero = jnp.zeros((_LANES,), jnp.int32)
    a0, a1 = lax.fori_loop(0, _NCHUNK // _NBUF, outer, (zero, zero))
    out_v[...] = a0 + a1
    pltpu.sync_copy(out_v, out_hbm.at[wid])


def _tc_body(gt_ref, pred_ref, out_ref):
    @pl.when(pl.program_id(0) == 0)
    def _():
        out_ref[0, 0] = jnp.int32(0)

    neq = (gt_ref[...] != pred_ref[...]).astype(jnp.int32)
    out_ref[0, 0] += jnp.sum(neq)


@jax.jit
def _mismatch_count(gt, pred):
    mesh = plsc.VectorSubcoreMesh(
        core_axis_name="c", subcore_axis_name="s",
        num_cores=_NC, num_subcores=_NS)
    sc_partials = pl.kernel(
        _mismatch_body,
        out_type=jax.ShapeDtypeStruct((_NW, _LANES), jnp.int32),
        mesh=mesh,
        compiler_params=pltpu.CompilerParams(
            needs_layout_passes=False, use_tc_tiling_on_sc=True),
        scratch_types=(
            [pltpu.VMEM((_CROWS, _COLS), jnp.int32)] * 4
            + [pltpu.VMEM((_LANES,), jnp.int32)]
            + [pltpu.SemaphoreType.DMA] * 2
        ),
    )(gt, pred)

    tc_count = pl.pallas_call(
        _tc_body,
        grid=(_TC_IMGS,),
        in_specs=[
            pl.BlockSpec((1, _ROWS, _COLS), lambda i: (_SC_IMGS + i, 0, 0)),
            pl.BlockSpec((1, _ROWS, _COLS), lambda i: (_SC_IMGS + i, 0, 0)),
        ],
        out_specs=pl.BlockSpec(
            (1, 1), lambda i: (0, 0), memory_space=pltpu.SMEM),
        out_shape=jax.ShapeDtypeStruct((1, 1), jnp.int32),
    )(gt, pred)

    return jnp.sum(sc_partials[:, 0].astype(jnp.float32)) + \
        tc_count[0, 0].astype(jnp.float32)


def kernel(mask_gt, mask_pred):
    mismatches = _mismatch_count(mask_gt, mask_pred)
    n = jnp.float32(_N)
    matches = n - mismatches
    return matches / (2.0 * n - matches)

# --- scband reference (transcript-rebuilt; emitter-appended) ---
"""Pipeline reference for scband-jaccard-index-2207613190768 (READ-ONLY COPY).

The authoritative reference and input builder live on the scoring server;
editing this copy changes nothing except your own understanding.
"""

import jax, jax.numpy as jnp
import numpy as np

NUM_CLASSES = 1

def _hist(x, num_classes, cond=None):
    # Faithful to np.histogram(x, bins=np.arange(num_classes + 1)):
    # bins edges [0, 1, ..., num_classes]; last bin is right-inclusive.
    xf = x.astype(jnp.float32).reshape(-1)
    in_range = (xf >= 0.0) & (xf <= float(num_classes))
    if cond is not None:
        in_range = in_range & cond.reshape(-1)
    idx = jnp.clip(jnp.floor(xf), 0.0, float(num_classes - 1)).astype(jnp.int32)
    w = jnp.where(in_range, 1.0, 0.0)
    return jnp.zeros((num_classes,), dtype=jnp.float32).at[idx].add(w)

def setup_inputs(seed: int = 0):
    key = jax.random.key(seed)
    k1, k2 = jax.random.split(key)
    mask_gt = jax.random.randint(k1, (8, 1024, 1024), 0, 2, dtype=jnp.int32)
    mask_pred = jax.random.randint(k2, (8, 1024, 1024), 0, 2, dtype=jnp.int32)
    return {"mask_gt": mask_gt, "mask_pred": mask_pred}

def reference(mask_gt, mask_pred):
    num_classes = NUM_CLASSES
    pred_label = mask_pred
    label = mask_gt
    match = (pred_label == label)
    area_intersect = _hist(pred_label, num_classes, cond=match)
    area_pred_label = _hist(pred_label, num_classes)
    area_label = _hist(label, num_classes)
    area_union = area_pred_label + area_label - area_intersect
    total_area_intersect = area_intersect
    total_area_union = area_union
    total_area_label = area_label
    all_acc = total_area_intersect.sum() / total_area_label.sum()
    acc = total_area_intersect / total_area_label
    iou = total_area_intersect / total_area_union
    return iou[0]

if __name__ == "__main__":
    import jax
    _d = setup_inputs()
    print(jax.jit(kernel)(*tuple(_d.values())))

</pallas_src>

<mosaic_0001>
#map = affine_map<(d0, d1) -> (0, 0, 0)>
#map1 = affine_map<(d0, d1) -> (0, 0)>
module attributes {stable_mosaic.version = 14 : i64} {
  func.func @_mismatch_body(%arg0: i32, %arg1: i32, %arg2: memref<8x1024x1024xi32, #tpu.memory_space<hbm>>, %arg3: memref<8x1024x1024xi32, #tpu.memory_space<hbm>>, %arg4: memref<32x16xi32, #tpu.memory_space<hbm>>, %arg5: memref<16x1024xi32, #tpu.memory_space<vmem>>, %arg6: memref<16x1024xi32, #tpu.memory_space<vmem>>, %arg7: memref<16x1024xi32, #tpu.memory_space<vmem>>, %arg8: memref<16x1024xi32, #tpu.memory_space<vmem>>, %arg9: memref<16xi32, #tpu.memory_space<vmem>>, %arg10: memref<!tpu.dma_semaphore, #tpu.memory_space<semaphore_mem>>, %arg11: memref<!tpu.dma_semaphore, #tpu.memory_space<semaphore_mem>>) attributes {dimension_semantics = [#tpu.dimension_semantics<core_parallel>, #tpu.dimension_semantics<subcore_parallel>], iteration_bounds = array<i64: 2, 16>, scalar_prefetch = 0 : i64, scratch_operands = 7 : i64, tpu.core_type = #tpu.core_type<sc_vector_subcore>, window_params = [{transform_indices = #map}, {transform_indices = #map}, {transform_indices = #map1}]} {
    %mul3A = arith.constant 2 : i32
    %mul3A_0 = arith.muli %arg1, %mul3A : i32
    %add3A = arith.addi %mul3A_0, %arg0 : i32
    %mul3A_1 = arith.constant 6 : i32
    %mul3A_2 = arith.muli %add3A, %mul3A_1 : i32
    %add3A_3 = arith.constant 0 : i32
    %add3A_4 = arith.addi %mul3A_2, %add3A_3 : i32
    %jit3A = arith.constant 64 : i32
    %div3A = arith.divsi %add3A_4, %jit3A : i32
    %sign3A = arith.constant 0 : i32
    %sign3A_5 = arith.cmpi sgt, %add3A_4, %sign3A : i32
    %sign3A_6 = arith.extui %sign3A_5 : i1 to i32
    %sign3A_7 = arith.constant 0 : i32
    %sign3A_8 = arith.cmpi slt, %add3A_4, %sign3A_7 : i32
    %sign3A_9 = arith.extui %sign3A_8 : i1 to i32
    %sign3A_10 = arith.subi %sign3A_6, %sign3A_9 : i32
    %sign3A_11 = arith.constant 0 : i32
    %sign3A_12 = arith.cmpi sgt, %jit3A, %sign3A_11 : i32
    %sign3A_13 = arith.extui %sign3A_12 : i1 to i32
    %sign3A_14 = arith.constant 0 : i32
    %sign3A_15 = arith.cmpi slt, %jit3A, %sign3A_14 : i32
    %sign3A_16 = arith.extui %sign3A_15 : i1 to i32
    %sign3A_17 = arith.subi %sign3A_13, %sign3A_16 : i32
    %ne3A = arith.cmpi ne, %sign3A_10, %sign3A_17 : i32
    %rem3A = arith.remsi %add3A_4, %jit3A : i32
    %ne3A_18 = arith.constant 0 : i32
    %ne3A_19 = arith.cmpi ne, %rem3A, %ne3A_18 : i32
    %and3A = arith.andi %ne3A, %ne3A_19 : i1
    %sub3A = arith.constant 1 : i32
    %sub3A_20 = arith.subi %div3A, %sub3A : i32
    %select_n3A = arith.select %and3A, %sub3A_20, %div3A : i32
    %jit3A_21 = arith.constant 64 : i32
    %eq3A = arith.constant 0 : i32
    %eq3A_22 = arith.cmpi eq, %jit3A_21, %eq3A : i32
    %jit3A_23 = arith.constant 1 : i32
    %select_n3A_24 = arith.select %eq3A_22, %jit3A_23, %jit3A_21 : i32
    %rem3A_25 = arith.remsi %add3A_4, %select_n3A_24 : i32
    %ne3A_26 = arith.constant 0 : i32
    %ne3A_27 = arith.cmpi ne, %rem3A_25, %ne3A_26 : i32
    %lt3A = arith.constant 0 : i32
    %lt3A_28 = arith.cmpi slt, %rem3A_25, %lt3A : i32
    %lt3A_29 = arith.constant 0 : i32
    %lt3A_30 = arith.cmpi slt, %select_n3A_24, %lt3A_29 : i32
    %ne3A_31 = arith.xori %lt3A_28, %lt3A_30 : i1
    %and3A_32 = arith.andi %ne3A_31, %ne3A_27 : i1
    %add3A_33 = arith.addi %rem3A_25, %select_n3A_24 : i32
    %select_n3A_34 = arith.select %and3A_32, %add3A_33, %rem3A_25 : i32
    %mul3A_35 = arith.constant 16 : i32
    %mul3A_36 = arith.muli %select_n3A_34, %mul3A_35 : i32
    %dma_start3A = arith.constant 0 : i32
    %dma_start3A_37 = tpu.memref_slice %arg2[%select_n3A, %mul3A_36, %dma_start3A] : memref<8x1024x1024xi32, #tpu.memory_space<hbm>> -> memref<1x16x1024xi32, #tpu.memory_space<hbm>>
    %dma_start3A_38 = tpu.memref_squeeze %dma_start3A_37 : memref<1x16x1024xi32, #tpu.memory_space<hbm>> -> memref<16x1024xi32, #tpu.memory_space<hbm>>
    %dma_start3A_39 = arith.constant 0 : i32
    %dma_start3A_40 = tpu.memref_slice %arg2[%select_n3A, %mul3A_36, %dma_start3A_39] : memref<8x1024x1024xi32, #tpu.memory_space<hbm>> -> memref<1x16x1024xi32, #tpu.memory_space<hbm>>
    %dma_start3A_41 = tpu.memref_squeeze %dma_start3A_40 : memref<1x16x1024xi32, #tpu.memory_space<hbm>> -> memref<16x1024xi32, #tpu.memory_space<hbm>>
    tpu.enqueue_dma source(%dma_start3A_41 : memref<16x1024xi32, #tpu.memory_space<hbm>>) target(%arg5 : memref<16x1024xi32, #tpu.memory_space<vmem>>) target_semaphore(%arg10 : memref<!tpu.dma_semaphore, #tpu.memory_space<semaphore_mem>>)
    %dma_start3A_42 = arith.constant 0 : i32
    %dma_start3A_43 = tpu.memref_slice %arg3[%select_n3A, %mul3A_36, %dma_start3A_42] : memref<8x1024x1024xi32, #tpu.memory_space<hbm>> -> memref<1x16x1024xi32, #tpu.memory_space<hbm>>
    %dma_start3A_44 = tpu.memref_squeeze %dma_start3A_43 : memref<1x16x1024xi32, #tpu.memory_space<hbm>> -> memref<16x1024xi32, #tpu.memory_space<hbm>>
    %dma_start3A_45 = arith.constant 0 : i32
    %dma_start3A_46 = tpu.memref_slice %arg3[%select_n3A, %mul3A_36, %dma_start3A_45] : memref<8x1024x1024xi32, #tpu.memory_space<hbm>> -> memref<1x16x1024xi32, #tpu.memory_space<hbm>>
    %dma_start3A_47 = tpu.memref_squeeze %dma_start3A_46 : memref<1x16x1024xi32, #tpu.memory_space<hbm>> -> memref<16x1024xi32, #tpu.memory_space<hbm>>
    tpu.enqueue_dma source(%dma_start3A_47 : memref<16x1024xi32, #tpu.memory_space<hbm>>) target(%arg7 : memref<16x1024xi32, #tpu.memory_space<vmem>>) target_semaphore(%arg10 : memref<!tpu.dma_semaphore, #tpu.memory_space<semaphore_mem>>)
    %broadcast_in_dim3A = arith.constant 0 : i32
    %broadcast_in_dim3A_48 = vector.broadcast %broadcast_in_dim3A : i32 to vector<16xi32>
    %scan3A = arith.constant 0 : i32
    %scan3A_49 = arith.constant 3 : i32
    %scan3A_50 = arith.addi %scan3A, %scan3A_49 : i32
    %scan3A_51 = arith.constant 1 : i32
    %scan3A_52:2 = scf.for %scan3A_56 = %scan3A to %scan3A_50 step %scan3A_51 iter_args(%scan3A_57 = %broadcast_in_dim3A_48, %scan3A_58 = %broadcast_in_dim3A_48) -> (vector<16xi32>, vector<16xi32>)  : i32 {
      %mul3A_59 = arith.constant 2 : i32
      %mul3A_60 = arith.muli %scan3A_56, %mul3A_59 : i32
      %add3A_61 = arith.constant 0 : i32
      %add3A_62 = arith.addi %mul3A_60, %add3A_61 : i32
      %add3A_63 = arith.constant 1 : i32
      %add3A_64 = arith.addi %add3A_62, %add3A_63 : i32
      %lt3A_65 = arith.constant 6 : i32
      %lt3A_66 = arith.cmpi slt, %add3A_64, %lt3A_65 : i32
      %convert_element_type3A = arith.extui %lt3A_66 : i1 to i32
      %cond3A = arith.constant 0 : i32
      %cond3A_67 = arith.cmpi ne, %convert_element_type3A, %cond3A : i32
      scf.if %cond3A_67 {
        %add3A_126 = arith.constant 1 : i32
        %add3A_127 = arith.addi %add3A_62, %add3A_126 : i32
        %add3A_128 = arith.addi %mul3A_2, %add3A_127 : i32
        %jit3A_129 = arith.constant 64 : i32
        %div3A_130 = arith.divsi %add3A_128, %jit3A_129 : i32
        %sign3A_131 = arith.constant 0 : i32
        %sign3A_132 = arith.cmpi sgt, %add3A_128, %sign3A_131 : i32
        %sign3A_133 = arith.extui %sign3A_132 : i1 to i32
        %sign3A_134 = arith.constant 0 : i32
        %sign3A_135 = arith.cmpi slt, %add3A_128, %sign3A_134 : i32
        %sign3A_136 = arith.extui %sign3A_135 : i1 to i32
        %sign3A_137 = arith.subi %sign3A_133, %sign3A_136 : i32
        %sign3A_138 = arith.constant 0 : i32
        %sign3A_139 = arith.cmpi sgt, %jit3A_129, %sign3A_138 : i32
        %sign3A_140 = arith.extui %sign3A_139 : i1 to i32
        %sign3A_141 = arith.constant 0 : i32
        %sign3A_142 = arith.cmpi slt, %jit3A_129, %sign3A_141 : i32
        %sign3A_143 = arith.extui %sign3A_142 : i1 to i32
        %sign3A_144 = arith.subi %sign3A_140, %sign3A_143 : i32
        %ne3A_145 = arith.cmpi ne, %sign3A_137, %sign3A_144 : i32
        %rem3A_146 = arith.remsi %add3A_128, %jit3A_129 : i32
        %ne3A_147 = arith.constant 0 : i32
        %ne3A_148 = arith.cmpi ne, %rem3A_146, %ne3A_147 : i32
        %and3A_149 = arith.andi %ne3A_145, %ne3A_148 : i1
        %sub3A_150 = arith.constant 1 : i32
        %sub3A_151 = arith.subi %div3A_130, %sub3A_150 : i32
        %select_n3A_152 = arith.select %and3A_149, %sub3A_151, %div3A_130 : i32
        %jit3A_153 = arith.constant 64 : i32
        %eq3A_154 = arith.constant 0 : i32
        %eq3A_155 = arith.cmpi eq, %jit3A_153, %eq3A_154 : i32
        %jit3A_156 = arith.constant 1 : i32
        %select_n3A_157 = arith.select %eq3A_155, %jit3A_156, %jit3A_153 : i32
        %rem3A_158 = arith.remsi %add3A_128, %select_n3A_157 : i32
        %ne3A_159 = arith.constant 0 : i32
        %ne3A_160 = arith.cmpi ne, %rem3A_158, %ne3A_159 : i32
        %lt3A_161 = arith.constant 0 : i32
        %lt3A_162 = arith.cmpi slt, %rem3A_158, %lt3A_161 : i32
        %lt3A_163 = arith.constant 0 : i32
        %lt3A_164 = arith.cmpi slt, %select_n3A_157, %lt3A_163 : i32
        %ne3A_165 = arith.xori %lt3A_162, %lt3A_164 : i1
        %and3A_166 = arith.andi %ne3A_165, %ne3A_160 : i1
        %add3A_167 = arith.addi %rem3A_158, %select_n3A_157 : i32
        %select_n3A_168 = arith.select %and3A_166, %add3A_167, %rem3A_158 : i32
        %mul3A_169 = arith.constant 16 : i32
        %mul3A_170 = arith.muli %select_n3A_168, %mul3A_169 : i32
        %dma_start3A_171 = arith.constant 0 : i32
        %dma_start3A_172 = tpu.memref_slice %arg2[%select_n3A_152, %mul3A_170, %dma_start3A_171] : memref<8x1024x1024xi32, #tpu.memory_space<hbm>> -> memref<1x16x1024xi32, #tpu.memory_space<hbm>>
        %dma_start3A_173 = tpu.memref_squeeze %dma_start3A_172 : memref<1x16x1024xi32, #tpu.memory_space<hbm>> -> memref<16x1024xi32, #tpu.memory_space<hbm>>
        %dma_start3A_174 = arith.constant 0 : i32
        %dma_start3A_175 = tpu.memref_slice %arg2[%select_n3A_152, %mul3A_170, %dma_start3A_174] : memref<8x1024x1024xi32, #tpu.memory_space<hbm>> -> memref<1x16x1024xi32, #tpu.memory_space<hbm>>
        %dma_start3A_176 = tpu.memref_squeeze %dma_start3A_175 : memref<1x16x1024xi32, #tpu.memory_space<hbm>> -> memref<16x1024xi32, #tpu.memory_space<hbm>>
        tpu.enqueue_dma source(%dma_start3A_176 : memref<16x1024xi32, #tpu.memory_space<hbm>>) target(%arg6 : memref<16x1024xi32, #tpu.memory_space<vmem>>) target_semaphore(%arg11 : memref<!tpu.dma_semaphore, #tpu.memory_space<semaphore_mem>>)
        %dma_start3A_177 = arith.constant 0 : i32
        %dma_start3A_178 = tpu.memref_slice %arg3[%select_n3A_152, %mul3A_170, %dma_start3A_177] : memref<8x1024x1024xi32, #tpu.memory_space<hbm>> -> memref<1x16x1024xi32, #tpu.memory_space<hbm>>
        %dma_start3A_179 = tpu.memref_squeeze %dma_start3A_178 : memref<1x16x1024xi32, #tpu.memory_space<hbm>> -> memref<16x1024xi32, #tpu.memory_space<hbm>>
        %dma_start3A_180 = arith.constant 0 : i32
        %dma_start3A_181 = tpu.memref_slice %arg3[%select_n3A_152, %mul3A_170, %dma_start3A_180] : memref<8x1024x1024xi32, #tpu.memory_space<hbm>> -> memref<1x16x1024xi32, #tpu.memory_space<hbm>>
        %dma_start3A_182 = tpu.memref_squeeze %dma_start3A_181 : memref<1x16x1024xi32, #tpu.memory_space<hbm>> -> memref<16x1024xi32, #tpu.memory_space<hbm>>
        tpu.enqueue_dma source(%dma_start3A_182 : memref<16x1024xi32, #tpu.memory_space<hbm>>) target(%arg8 : memref<16x1024xi32, #tpu.memory_space<vmem>>) target_semaphore(%arg11 : memref<!tpu.dma_semaphore, #tpu.memory_space<semaphore_mem>>)
      } else {
      }
      %dma_wait3A = arith.constant 0 : i32
      %dma_wait3A_68 = arith.constant 0 : i32
      %dma_wait3A_69 = arith.constant 0 : i32
      %dma_wait3A_70 = tpu.memref_slice %arg2[%dma_wait3A, %dma_wait3A_68, %dma_wait3A_69] : memref<8x1024x1024xi32, #tpu.memory_space<hbm>> -> memref<1x16x1024xi32, #tpu.memory_space<hbm>>
      %dma_wait3A_71 = tpu.memref_squeeze %dma_wait3A_70 : memref<1x16x1024xi32, #tpu.memory_space<hbm>> -> memref<16x1024xi32, #tpu.memory_space<hbm>>
      %dma_wait3A_72 = arith.constant 0 : i32
      %dma_wait3A_73 = arith.constant 0 : i32
      %dma_wait3A_74 = tpu.memref_slice %arg2[%dma_wait3A, %dma_wait3A_72, %dma_wait3A_73] : memref<8x1024x1024xi32, #tpu.memory_space<hbm>> -> memref<1x16x1024xi32, #tpu.memory_space<hbm>>
      %dma_wait3A_75 = tpu.memref_squeeze %dma_wait3A_74 : memref<1x16x1024xi32, #tpu.memory_space<hbm>> -> memref<16x1024xi32, #tpu.memory_space<hbm>>
      tpu.wait_dma2 semaphore(%arg10 : memref<!tpu.dma_semaphore, #tpu.memory_space<semaphore_mem>>) src(%dma_wait3A_75 : memref<16x1024xi32, #tpu.memory_space<hbm>>) dst(%arg5 : memref<16x1024xi32, #tpu.memory_space<vmem>>)
      %dma_wait3A_76 = arith.constant 0 : i32
      %dma_wait3A_77 = arith.constant 0 : i32
      %dma_wait3A_78 = arith.constant 0 : i32
      %dma_wait3A_79 = tpu.memref_slice %arg3[%dma_wait3A_76, %dma_wait3A_77, %dma_wait3A_78] : memref<8x1024x1024xi32, #tpu.memory_space<hbm>> -> memref<1x16x1024xi32, #tpu.memory_space<hbm>>
      %dma_wait3A_80 = tpu.memref_squeeze %dma_wait3A_79 : memref<1x16x1024xi32, #tpu.memory_space<hbm>> -> memref<16x1024xi32, #tpu.memory_space<hbm>>
      %dma_wait3A_81 = arith.constant 0 : i32
      %dma_wait3A_82 = arith.constant 0 : i32
      %dma_wait3A_83 = tpu.memref_slice %arg3[%dma_wait3A_76, %dma_wait3A_81, %dma_wait3A_82] : memref<8x1024x1024xi32, #tpu.memory_space<hbm>> -> memref<1x16x1024xi32, #tpu.memory_space<hbm>>
      %dma_wait3A_84 = tpu.memref_squeeze %dma_wait3A_83 : memref<1x16x1024xi32, #tpu.memory_space<hbm>> -> memref<16x1024xi32, #tpu.memory_space<hbm>>
      tpu.wait_dma2 semaphore(%arg10 : memref<!tpu.dma_semaphore, #tpu.memory_space<semaphore_mem>>) src(%dma_wait3A_84 : memref<16x1024xi32, #tpu.memory_space<hbm>>) dst(%arg7 : memref<16x1024xi32, #tpu.memory_space<vmem>>)
      %scan3A_85 = arith.constant 0 : i32
      %scan3A_86 = arith.constant 64 : i32
      %scan3A_87 = arith.addi %scan3A_85, %scan3A_86 : i32
      %scan3A_88 = arith.constant 1 : i32
      %scan3A_89:2 = scf.for %scan3A_126 = %scan3A_85 to %scan3A_87 step %scan3A_88 iter_args(%scan3A_127 = %scan3A_57, %scan3A_128 = %scan3A_58) -> (vector<16xi32>, vector<16xi32>)  : i32 {
        %mul3A_129 = arith.constant 16 : i32
        %mul3A_130 = arith.muli %scan3A_126, %mul3A_129 : i32
        %get3A = arith.constant 0 : i32
        %get3A_131 = arith.index_cast %get3A : i32 to index
        %get3A_132 = arith.index_cast %mul3A_130 : i32 to index
        %get3A_133 = tpu.vector_load %arg5[%get3A_131, %get3A_132] {strides = array<i32>} : memref<16x1024xi32, #tpu.memory_space<vmem>>, vector<16xi32>,
        %get3A_134 = arith.constant 0 : i32
        %get3A_135 = arith.index_cast %get3A_134 : i32 to index
        %get3A_136 = arith.index_cast %mul3A_130 : i32 to index
        %get3A_137 = tpu.vector_load %arg7[%get3A_135, %get3A_136] {strides = array<i32>} : memref<16x1024xi32, #tpu.memory_space<vmem>>, vector<16xi32>,
        %ne3A_138 = arith.cmpi ne, %get3A_133, %get3A_137 : vector<16xi32>
        %all_reduce_population_count3A = tpu.all_reduce %ne3A_138 {dim = 0 : i64, kind = #tpu.reduction_kind<sum>} : vector<16xi1> -> vector<16xi32>
        %add3A_139 = arith.addi %scan3A_127, %all_reduce_population_count3A : vector<16xi32>
        %get3A_140 = arith.constant 1 : i32
        %get3A_141 = arith.index_cast %get3A_140 : i32 to index
        %get3A_142 = arith.index_cast %mul3A_130 : i32 to index
        %get3A_143 = tpu.vector_load %arg5[%get3A_141, %get3A_142] {strides = array<i32>} : memref<16x1024xi32, #tpu.memory_space<vmem>>, vector<16xi32>,
        %get3A_144 = arith.constant 1 : i32
        %get3A_145 = arith.index_cast %get3A_144 : i32 to index
        %get3A_146 = arith.index_cast %mul3A_130 : i32 to index
        %get3A_147 = tpu.vector_load %arg7[%get3A_145, %get3A_146] {strides = array<i32>} : memref<16x1024xi32, #tpu.memory_space<vmem>>, vector<16xi32>,
        %ne3A_148 = arith.cmpi ne, %get3A_143, %get3A_147 : vector<16xi32>
        %all_reduce_population_count3A_149 = tpu.all_reduce %ne3A_148 {dim = 0 : i64, kind = #tpu.reduction_kind<sum>} : vector<16xi1> -> vector<16xi32>
        %add3A_150 = arith.addi %scan3A_128, %all_reduce_population_count3A_149 : vector<16xi32>
        %get3A_151 = arith.constant 2 : i32
        %get3A_152 = arith.index_cast %get3A_151 : i32 to index
        %get3A_153 = arith.index_cast %mul3A_130 : i32 to index
        %get3A_154 = tpu.vector_load %arg5[%get3A_152, %get3A_153] {strides = array<i32>} : memref<16x1024xi32, #tpu.memory_space<vmem>>, vector<16xi32>,
        %get3A_155 = arith.constant 2 : i32
        %get3A_156 = arith.index_cast %get3A_155 : i32 to index
        %get3A_157 = arith.index_cast %mul3A_130 : i32 to index
        %get3A_158 = tpu.vector_load %arg7[%get3A_156, %get3A_157] {strides = array<i32>} : memref<16x1024xi32, #tpu.memory_space<vmem>>, vector<16xi32>,
        %ne3A_159 = arith.cmpi ne, %get3A_154, %get3A_158 : vector<16xi32>
        %all_reduce_population_count3A_160 = tpu.all_reduce %ne3A_159 {dim = 0 : i64, kind = #tpu.reduction_kind<sum>} : vector<16xi1> -> vector<16xi32>
        %add3A_161 = arith.addi %add3A_139, %all_reduce_population_count3A_160 : vector<16xi32>
        %get3A_162 = arith.constant 3 : i32
        %get3A_163 = arith.index_cast %get3A_162 : i32 to index
        %get3A_164 = arith.index_cast %mul3A_130 : i32 to index
        %get3A_165 = tpu.vector_load %arg5[%get3A_163, %get3A_164] {strides = array<i32>} : memref<16x1024xi32, #tpu.memory_space<vmem>>, vector<16xi32>,
        %get3A_166 = arith.constant 3 : i32
        %get3A_167 = arith.index_cast %get3A_166 : i32 to index
        %get3A_168 = arith.index_cast %mul3A_130 : i32 to index
        %get3A_169 = tpu.vector_load %arg7[%get3A_167, %get3A_168] {strides = array<i32>} : memref<16x1024xi32, #tpu.memory_space<vmem>>, vector<16xi32>,
        %ne3A_170 = arith.cmpi ne, %get3A_165, %get3A_169 : vector<16xi32>
        %all_reduce_population_count3A_171 = tpu.all_reduce %ne3A_170 {dim = 0 : i64, kind = #tpu.reduction_kind<sum>} : vector<16xi1> -> vector<16xi32>
        %add3A_172 = arith.addi %add3A_150, %all_reduce_population_count3A_171 : vector<16xi32>
        %get3A_173 = arith.constant 4 : i32
        %get3A_174 = arith.index_cast %get3A_173 : i32 to index
        %get3A_175 = arith.index_cast %mul3A_130 : i32 to index
        %get3A_176 = tpu.vector_load %arg5[%get3A_174, %get3A_175] {strides = array<i32>} : memref<16x1024xi32, #tpu.memory_space<vmem>>, vector<16xi32>,
        %get3A_177 = arith.constant 4 : i32
        %get3A_178 = arith.index_cast %get3A_177 : i32 to index
        %get3A_179 = arith.index_cast %mul3A_130 : i32 to index
        %get3A_180 = tpu.vector_load %arg7[%get3A_178, %get3A_179] {strides = array<i32>} : memref<16x1024xi32, #tpu.memory_space<vmem>>, vector<16xi32>,
        %ne3A_181 = arith.cmpi ne, %get3A_176, %get3A_180 : vector<16xi32>
        %all_reduce_population_count3A_182 = tpu.all_reduce %ne3A_181 {dim = 0 : i64, kind = #tpu.reduction_kind<sum>} : vector<16xi1> -> vector<16xi32>
        %add3A_183 = arith.addi %add3A_161, %all_reduce_population_count3A_182 : vector<16xi32>
        %get3A_184 = arith.constant 5 : i32
        %get3A_185 = arith.index_cast %get3A_184 : i32 to index
        %get3A_186 = arith.index_cast %mul3A_130 : i32 to index
        %get3A_187 = tpu.vector_load %arg5[%get3A_185, %get3A_186] {strides = array<i32>} : memref<16x1024xi32, #tpu.memory_space<vmem>>, vector<16xi32>,
        %get3A_188 = arith.constant 5 : i32
        %get3A_189 = arith.index_cast %get3A_188 : i32 to index
        %get3A_190 = arith.index_cast %mul3A_130 : i32 to index
        %get3A_191 = tpu.vector_load %arg7[%get3A_189, %get3A_190] {strides = array<i32>} : memref<16x1024xi32, #tpu.memory_space<vmem>>, vector<16xi32>,
        %ne3A_192 = arith.cmpi ne, %get3A_187, %get3A_191 : vector<16xi32>
        %all_reduce_population_count3A_193 = tpu.all_reduce %ne3A_192 {dim = 0 : i64, kind = #tpu.reduction_kind<sum>} : vector<16xi1> -> vector<16xi32>
        %add3A_194 = arith.addi %add3A_172, %all_reduce_population_count3A_193 : vector<16xi32>
        %get3A_195 = arith.constant 6 : i32
        %get3A_196 = arith.index_cast %get3A_195 : i32 to index
        %get3A_197 = arith.index_cast %mul3A_130 : i32 to index
        %get3A_198 = tpu.vector_load %arg5[%get3A_196, %get3A_197] {strides = array<i32>} : memref<16x1024xi32, #tpu.memory_space<vmem>>, vector<16xi32>,
        %get3A_199 = arith.constant 6 : i32
        %get3A_200 = arith.index_cast %get3A_199 : i32 to index
        %get3A_201 = arith.index_cast %mul3A_130 : i32 to index
        %get3A_202 = tpu.vector_load %arg7[%get3A_200, %get3A_201] {strides = array<i32>} : memref<16x1024xi32, #tpu.memory_space<vmem>>, vector<16xi32>,
        %ne3A_203 = arith.cmpi ne, %get3A_198, %get3A_202 : vector<16xi32>
        %all_reduce_population_count3A_204 = tpu.all_reduce %ne3A_203 {dim = 0 : i64, kind = #tpu.reduction_kind<sum>} : vector<16xi1> -> vector<16xi32>
        %add3A_205 = arith.addi %add3A_183, %all_reduce_population_count3A_204 : vector<16xi32>
        %get3A_206 = arith.constant 7 : i32
        %get3A_207 = arith.index_cast %get3A_206 : i32 to index
        %get3A_208 = arith.index_cast %mul3A_130 : i32 to index
        %get3A_209 = tpu.vector_load %arg5[%get3A_207, %get3A_208] {strides = array<i32>} : memref<16x1024xi32, #tpu.memory_space<vmem>>, vector<16xi32>,
        %get3A_210 = arith.constant 7 : i32
        %get3A_211 = arith.index_cast %get3A_210 : i32 to index
        %get3A_212 = arith.index_cast %mul3A_130 : i32 to index
        %get3A_213 = tpu.vector_load %arg7[%get3A_211, %get3A_212] {strides = array<i32>} : memref<16x1024xi32, #tpu.memory_space<vmem>>, vector<16xi32>,
        %ne3A_214 = arith.cmpi ne, %get3A_209, %get3A_213 : vector<16xi32>
        %all_reduce_population_count3A_215 = tpu.all_reduce %ne3A_214 {dim = 0 : i64, kind = #tpu.reduction_kind<sum>} : vector<16xi1> -> vector<16xi32>
        %add3A_216 = arith.addi %add3A_194, %all_reduce_population_count3A_215 : vector<16xi32>
        %get3A_217 = arith.constant 8 : i32
        %get3A_218 = arith.index_cast %get3A_217 : i32 to index
        %get3A_219 = arith.index_cast %mul3A_130 : i32 to index
        %get3A_220 = tpu.vector_load %arg5[%get3A_218, %get3A_219] {strides = array<i32>} : memref<16x1024xi32, #tpu.memory_space<vmem>>, vector<16xi32>,
        %get3A_221 = arith.constant 8 : i32
        %get3A_222 = arith.index_cast %get3A_221 : i32 to index
        %get3A_223 = arith.index_cast %mul3A_130 : i32 to index
        %get3A_224 = tpu.vector_load %arg7[%get3A_222, %get3A_223] {strides = array<i32>} : memref<16x1024xi32, #tpu.memory_space<vmem>>, vector<16xi32>,
        %ne3A_225 = arith.cmpi ne, %get3A_220, %get3A_224 : vector<16xi32>
        %all_reduce_population_count3A_226 = tpu.all_reduce %ne3A_225 {dim = 0 : i64, kind = #tpu.reduction_kind<sum>} : vector<16xi1> -> vector<16xi32>
        %add3A_227 = arith.addi %add3A_205, %all_reduce_population_count3A_226 : vector<16xi32>
        %get3A_228 = arith.constant 9 : i32
        %get3A_229 = arith.index_cast %get3A_228 : i32 to index
        %get3A_230 = arith.index_cast %mul3A_130 : i32 to index
        %get3A_231 = tpu.vector_load %arg5[%get3A_229, %get3A_230] {strides = array<i32>} : memref<16x1024xi32, #tpu.memory_space<vmem>>, vector<16xi32>,
        %get3A_232 = arith.constant 9 : i32
        %get3A_233 = arith.index_cast %get3A_232 : i32 to index
        %get3A_234 = arith.index_cast %mul3A_130 : i32 to index
        %get3A_235 = tpu.vector_load %arg7[%get3A_233, %get3A_234] {strides = array<i32>} : memref<16x1024xi32, #tpu.memory_space<vmem>>, vector<16xi32>,
        %ne3A_236 = arith.cmpi ne, %get3A_231, %get3A_235 : vector<16xi32>
        %all_reduce_population_count3A_237 = tpu.all_reduce %ne3A_236 {dim = 0 : i64, kind = #tpu.reduction_kind<sum>} : vector<16xi1> -> vector<16xi32>
        %add3A_238 = arith.addi %add3A_216, %all_reduce_population_count3A_237 : vector<16xi32>
        %get3A_239 = arith.constant 10 : i32
        %get3A_240 = arith.index_cast %get3A_239 : i32 to index
        %get3A_241 = arith.index_cast %mul3A_130 : i32 to index
        %get3A_242 = tpu.vector_load %arg5[%get3A_240, %get3A_241] {strides = array<i32>} : memref<16x1024xi32, #tpu.memory_space<vmem>>, vector<16xi32>,
        %get3A_243 = arith.constant 10 : i32
        %get3A_244 = arith.index_cast %get3A_243 : i32 to index
        %get3A_245 = arith.index_cast %mul3A_130 : i32 to index
        %get3A_246 = tpu.vector_load %arg7[%get3A_244, %get3A_245] {strides = array<i32>} : memref<16x1024xi32, #tpu.memory_space<vmem>>, vector<16xi32>,
        %ne3A_247 = arith.cmpi ne, %get3A_242, %get3A_246 : vector<16xi32>
        %all_reduce_population_count3A_248 = tpu.all_reduce %ne3A_247 {dim = 0 : i64, kind = #tpu.reduction_kind<sum>} : vector<16xi1> -> vector<16xi32>
        %add3A_249 = arith.addi %add3A_227, %all_reduce_population_count3A_248 : vector<16xi32>
        %get3A_250 = arith.constant 11 : i32
        %get3A_251 = arith.index_cast %get3A_250 : i32 to index
        %get3A_252 = arith.index_cast %mul3A_130 : i32 to index
        %get3A_253 = tpu.vector_load %arg5[%get3A_251, %get3A_252] {strides = array<i32>} : memref<16x1024xi32, #tpu.memory_space<vmem>>, vector<16xi32>,
        %get3A_254 = arith.constant 11 : i32
        %get3A_255 = arith.index_cast %get3A_254 : i32 to index
        %get3A_256 = arith.index_cast %mul3A_130 : i32 to index
        %get3A_257 = tpu.vector_load %arg7[%get3A_255, %get3A_256] {strides = array<i32>} : memref<16x1024xi32, #tpu.memory_space<vmem>>, vector<16xi32>,
        %ne3A_258 = arith.cmpi ne, %get3A_253, %get3A_257 : vector<16xi32>
        %all_reduce_population_count3A_259 = tpu.all_reduce %ne3A_258 {dim = 0 : i64, kind = #tpu.reduction_kind<sum>} : vector<16xi1> -> vector<16xi32>
        %add3A_260 = arith.addi %add3A_238, %all_reduce_population_count3A_259 : vector<16xi32>
        %get3A_261 = arith.constant 12 : i32
        %get3A_262 = arith.index_cast %get3A_261 : i32 to index
        %get3A_263 = arith.index_cast %mul3A_130 : i32 to index
        %get3A_264 = tpu.vector_load %arg5[%get3A_262, %get3A_263] {strides = array<i32>} : memref<16x1024xi32, #tpu.memory_space<vmem>>, vector<16xi32>,
        %get3A_265 = arith.constant 12 : i32
        %get3A_266 = arith.index_cast %get3A_265 : i32 to index
        %get3A_267 = arith.index_cast %mul3A_130 : i32 to index
        %get3A_268 = tpu.vector_load %arg7[%get3A_266, %get3A_267] {strides = array<i32>} : memref<16x1024xi32, #tpu.memory_space<vmem>>, vector<16xi32>,
        %ne3A_269 = arith.cmpi ne, %get3A_264, %get3A_268 : vector<16xi32>
        %all_reduce_population_count3A_270 = tpu.all_reduce %ne3A_269 {dim = 0 : i64, kind = #tpu.reduction_kind<sum>} : vector<16xi1> -> vector<16xi32>
        %add3A_271 = arith.addi %add3A_249, %all_reduce_population_count3A_270 : vector<16xi32>
        %get3A_272 = arith.constant 13 : i32
        %get3A_273 = arith.index_cast %get3A_272 : i32 to index
        %get3A_274 = arith.index_cast %mul3A_130 : i32 to index
        %get3A_275 = tpu.vector_load %arg5[%get3A_273, %get3A_274] {strides = array<i32>} : memref<16x1024xi32, #tpu.memory_space<vmem>>, vector<16xi32>,
        %get3A_276 = arith.constant 13 : i32
        %get3A_277 = arith.index_cast %get3A_276 : i32 to index
        %get3A_278 = arith.index_cast %mul3A_130 : i32 to index
        %get3A_279 = tpu.vector_load %arg7[%get3A_277, %get3A_278] {strides = array<i32>} : memref<16x1024xi32, #tpu.memory_space<vmem>>, vector<16xi32>,
        %ne3A_280 = arith.cmpi ne, %get3A_275, %get3A_279 : vector<16xi32>
        %all_reduce_population_count3A_281 = tpu.all_reduce %ne3A_280 {dim = 0 : i64, kind = #tpu.reduction_kind<sum>} : vector<16xi1> -> vector<16xi32>
        %add3A_282 = arith.addi %add3A_260, %all_reduce_population_count3A_281 : vector<16xi32>
        %get3A_283 = arith.constant 14 : i32
        %get3A_284 = arith.index_cast %get3A_283 : i32 to index
        %get3A_285 = arith.index_cast %mul3A_130 : i32 to index
        %get3A_286 = tpu.vector_load %arg5[%get3A_284, %get3A_285] {strides = array<i32>} : memref<16x1024xi32, #tpu.memory_space<vmem>>, vector<16xi32>,
        %get3A_287 = arith.constant 14 : i32
        %get3A_288 = arith.index_cast %get3A_287 : i32 to index
        %get3A_289 = arith.index_cast %mul3A_130 : i32 to index
        %get3A_290 = tpu.vector_load %arg7[%get3A_288, %get3A_289] {strides = array<i32>} : memref<16x1024xi32, #tpu.memory_space<vmem>>, vector<16xi32>,
        %ne3A_291 = arith.cmpi ne, %get3A_286, %get3A_290 : vector<16xi32>
        %all_reduce_population_count3A_292 = tpu.all_reduce %ne3A_291 {dim = 0 : i64, kind = #tpu.reduction_kind<sum>} : vector<16xi1> -> vector<16xi32>
        %add3A_293 = arith.addi %add3A_271, %all_reduce_population_count3A_292 : vector<16xi32>
        %get3A_294 = arith.constant 15 : i32
        %get3A_295 = arith.index_cast %get3A_294 : i32 to index
        %get3A_296 = arith.index_cast %mul3A_130 : i32 to index
        %get3A_297 = tpu.vector_load %arg5[%get3A_295, %get3A_296] {strides = array<i32>} : memref<16x1024xi32, #tpu.memory_space<vmem>>, vector<16xi32>,
        %get3A_298 = arith.constant 15 : i32
        %get3A_299 = arith.index_cast %get3A_298 : i32 to index
        %get3A_300 = arith.index_cast %mul3A_130 : i32 to index
        %get3A_301 = tpu.vector_load %arg7[%get3A_299, %get3A_300] {strides = array<i32>} : memref<16x1024xi32, #tpu.memory_space<vmem>>, vector<16xi32>,
        %ne3A_302 = arith.cmpi ne, %get3A_297, %get3A_301 : vector<16xi32>
        %all_reduce_population_count3A_303 = tpu.all_reduce %ne3A_302 {dim = 0 : i64, kind = #tpu.reduction_kind<sum>} : vector<16xi1> -> vector<16xi32>
        %add3A_304 = arith.addi %add3A_282, %all_reduce_population_count3A_303 : vector<16xi32>
        scf.yield %add3A_293, %add3A_304 : vector<16xi32>, vector<16xi32>
      }
      %scan3A_90 = arith.constant 64 : i32
      %mul3A_91 = arith.constant 2 : i32
      %mul3A_92 = arith.muli %scan3A_56, %mul3A_91 : i32
      %add3A_93 = arith.constant 1 : i32
      %add3A_94 = arith.addi %mul3A_92, %add3A_93 : i32
      %add3A_95 = arith.constant 1 : i32
      %add3A_96 = arith.addi %add3A_94, %add3A_95 : i32
      %lt3A_97 = arith.constant 6 : i32
      %lt3A_98 = arith.cmpi slt, %add3A_96, %lt3A_97 : i32
      %convert_element_type3A_99 = arith.extui %lt3A_98 : i1 to i32
      %cond3A_100 = arith.constant 0 : i32
      %cond3A_101 = arith.cmpi ne, %convert_element_type3A_99, %cond3A_100 : i32
      scf.if %cond3A_101 {
        %add3A_126 = arith.constant 1 : i32
        %add3A_127 = arith.addi %add3A_94, %add3A_126 : i32
        %add3A_128 = arith.addi %mul3A_2, %add3A_127 : i32
        %jit3A_129 = arith.constant 64 : i32
        %div3A_130 = arith.divsi %add3A_128, %jit3A_129 : i32
        %sign3A_131 = arith.constant 0 : i32
        %sign3A_132 = arith.cmpi sgt, %add3A_128, %sign3A_131 : i32
        %sign3A_133 = arith.extui %sign3A_132 : i1 to i32
        %sign3A_134 = arith.constant 0 : i32
        %sign3A_135 = arith.cmpi slt, %add3A_128, %sign3A_134 : i32
        %sign3A_136 = arith.extui %sign3A_135 : i1 to i32
        %sign3A_137 = arith.subi %sign3A_133, %sign3A_136 : i32
        %sign3A_138 = arith.constant 0 : i32
        %sign3A_139 = arith.cmpi sgt, %jit3A_129, %sign3A_138 : i32
        %sign3A_140 = arith.extui %sign3A_139 : i1 to i32
        %sign3A_141 = arith.constant 0 : i32
        %sign3A_142 = arith.cmpi slt, %jit3A_129, %sign3A_141 : i32
        %sign3A_143 = arith.extui %sign3A_142 : i1 to i32
        %sign3A_144 = arith.subi %sign3A_140, %sign3A_143 : i32
        %ne3A_145 = arith.cmpi ne, %sign3A_137, %sign3A_144 : i32
        %rem3A_146 = arith.remsi %add3A_128, %jit3A_129 : i32
        %ne3A_147 = arith.constant 0 : i32
        %ne3A_148 = arith.cmpi ne, %rem3A_146, %ne3A_147 : i32
        %and3A_149 = arith.andi %ne3A_145, %ne3A_148 : i1
        %sub3A_150 = arith.constant 1 : i32
        %sub3A_151 = arith.subi %div3A_130, %sub3A_150 : i32
        %select_n3A_152 = arith.select %and3A_149, %sub3A_151, %div3A_130 : i32
        %jit3A_153 = arith.constant 64 : i32
        %eq3A_154 = arith.constant 0 : i32
        %eq3A_155 = arith.cmpi eq, %jit3A_153, %eq3A_154 : i32
        %jit3A_156 = arith.constant 1 : i32
        %select_n3A_157 = arith.select %eq3A_155, %jit3A_156, %jit3A_153 : i32
        %rem3A_158 = arith.remsi %add3A_128, %select_n3A_157 : i32
        %ne3A_159 = arith.constant 0 : i32
        %ne3A_160 = arith.cmpi ne, %rem3A_158, %ne3A_159 : i32
        %lt3A_161 = arith.constant 0 : i32
        %lt3A_162 = arith.cmpi slt, %rem3A_158, %lt3A_161 : i32
        %lt3A_163 = arith.constant 0 : i32
        %lt3A_164 = arith.cmpi slt, %select_n3A_157, %lt3A_163 : i32
        %ne3A_165 = arith.xori %lt3A_162, %lt3A_164 : i1
        %and3A_166 = arith.andi %ne3A_165, %ne3A_160 : i1
        %add3A_167 = arith.addi %rem3A_158, %select_n3A_157 : i32
        %select_n3A_168 = arith.select %and3A_166, %add3A_167, %rem3A_158 : i32
        %mul3A_169 = arith.constant 16 : i32
        %mul3A_170 = arith.muli %select_n3A_168, %mul3A_169 : i32
        %dma_start3A_171 = arith.constant 0 : i32
        %dma_start3A_172 = tpu.memref_slice %arg2[%select_n3A_152, %mul3A_170, %dma_start3A_171] : memref<8x1024x1024xi32, #tpu.memory_space<hbm>> -> memref<1x16x1024xi32, #tpu.memory_space<hbm>>
        %dma_start3A_173 = tpu.memref_squeeze %dma_start3A_172 : memref<1x16x1024xi32, #tpu.memory_space<hbm>> -> memref<16x1024xi32, #tpu.memory_space<hbm>>
        %dma_start3A_174 = arith.constant 0 : i32
        %dma_start3A_175 = tpu.memref_slice %arg2[%select_n3A_152, %mul3A_170, %dma_start3A_174] : memref<8x1024x1024xi32, #tpu.memory_space<hbm>> -> memref<1x16x1024xi32, #tpu.memory_space<hbm>>
        %dma_start3A_176 = tpu.memref_squeeze %dma_start3A_175 : memref<1x16x1024xi32, #tpu.memory_space<hbm>> -> memref<16x1024xi32, #tpu.memory_space<hbm>>
        tpu.enqueue_dma source(%dma_start3A_176 : memref<16x1024xi32, #tpu.memory_space<hbm>>) target(%arg5 : memref<16x1024xi32, #tpu.memory_space<vmem>>) target_semaphore(%arg10 : memref<!tpu.dma_semaphore, #tpu.memory_space<semaphore_mem>>)
        %dma_start3A_177 = arith.constant 0 : i32
        %dma_start3A_178 = tpu.memref_slice %arg3[%select_n3A_152, %mul3A_170, %dma_start3A_177] : memref<8x1024x1024xi32, #tpu.memory_space<hbm>> -> memref<1x16x1024xi32, #tpu.memory_space<hbm>>
        %dma_start3A_179 = tpu.memref_squeeze %dma_start3A_178 : memref<1x16x1024xi32, #tpu.memory_space<hbm>> -> memref<16x1024xi32, #tpu.memory_space<hbm>>
        %dma_start3A_180 = arith.constant 0 : i32
        %dma_start3A_181 = tpu.memref_slice %arg3[%select_n3A_152, %mul3A_170, %dma_start3A_180] : memref<8x1024x1024xi32, #tpu.memory_space<hbm>> -> memref<1x16x1024xi32, #tpu.memory_space<hbm>>
        %dma_start3A_182 = tpu.memref_squeeze %dma_start3A_181 : memref<1x16x1024xi32, #tpu.memory_space<hbm>> -> memref<16x1024xi32, #tpu.memory_space<hbm>>
        tpu.enqueue_dma source(%dma_start3A_182 : memref<16x1024xi32, #tpu.memory_space<hbm>>) target(%arg7 : memref<16x1024xi32, #tpu.memory_space<vmem>>) target_semaphore(%arg10 : memref<!tpu.dma_semaphore, #tpu.memory_space<semaphore_mem>>)
      } else {
      }
      %dma_wait3A_102 = arith.constant 0 : i32
      %dma_wait3A_103 = arith.constant 0 : i32
      %dma_wait3A_104 = arith.constant 0 : i32
      %dma_wait3A_105 = tpu.memref_slice %arg2[%dma_wait3A_102, %dma_wait3A_103, %dma_wait3A_104] : memref<8x1024x1024xi32, #tpu.memory_space<hbm>> -> memref<1x16x1024xi32, #tpu.memory_space<hbm>>
      %dma_wait3A_106 = tpu.memref_squeeze %dma_wait3A_105 : memref<1x16x1024xi32, #tpu.memory_space<hbm>> -> memref<16x1024xi32, #tpu.memory_space<hbm>>
      %dma_wait3A_107 = arith.constant 0 : i32
      %dma_wait3A_108 = arith.constant 0 : i32
      %dma_wait3A_109 = tpu.memref_slice %arg2[%dma_wait3A_102, %dma_wait3A_107, %dma_wait3A_108] : memref<8x1024x1024xi32, #tpu.memory_space<hbm>> -> memref<1x16x1024xi32, #tpu.memory_space<hbm>>
      %dma_wait3A_110 = tpu.memref_squeeze %dma_wait3A_109 : memref<1x16x1024xi32, #tpu.memory_space<hbm>> -> memref<16x1024xi32, #tpu.memory_space<hbm>>
      tpu.wait_dma2 semaphore(%arg11 : memref<!tpu.dma_semaphore, #tpu.memory_space<semaphore_mem>>) src(%dma_wait3A_110 : memref<16x1024xi32, #tpu.memory_space<hbm>>) dst(%arg6 : memref<16x1024xi32, #tpu.memory_space<vmem>>)
      %dma_wait3A_111 = arith.constant 0 : i32
      %dma_wait3A_112 = arith.constant 0 : i32
      %dma_wait3A_113 = arith.constant 0 : i32
      %dma_wait3A_114 = tpu.memref_slice %arg3[%dma_wait3A_111, %dma_wait3A_112, %dma_wait3A_113] : memref<8x1024x1024xi32, #tpu.memory_space<hbm>> -> memref<1x16x1024xi32, #tpu.memory_space<hbm>>
      %dma_wait3A_115 = tpu.memref_squeeze %dma_wait3A_114 : memref<1x16x1024xi32, #tpu.memory_space<hbm>> -> memref<16x1024xi32, #tpu.memory_space<hbm>>
      %dma_wait3A_116 = arith.constant 0 : i32
      %dma_wait3A_117 = arith.constant 0 : i32
      %dma_wait3A_118 = tpu.memref_slice %arg3[%dma_wait3A_111, %dma_wait3A_116, %dma_wait3A_117] : memref<8x1024x1024xi32, #tpu.memory_space<hbm>> -> memref<1x16x1024xi32, #tpu.memory_space<hbm>>
      %dma_wait3A_119 = tpu.memref_squeeze %dma_wait3A_118 : memref<1x16x1024xi32, #tpu.memory_space<hbm>> -> memref<16x1024xi32, #tpu.memory_space<hbm>>
      tpu.wait_dma2 semaphore(%arg11 : memref<!tpu.dma_semaphore, #tpu.memory_space<semaphore_mem>>) src(%dma_wait3A_119 : memref<16x1024xi32, #tpu.memory_space<hbm>>) dst(%arg8 : memref<16x1024xi32, #tpu.memory_space<vmem>>)
      %scan3A_120 = arith.constant 0 : i32
      %scan3A_121 = arith.constant 64 : i32
      %scan3A_122 = arith.addi %scan3A_120, %scan3A_121 : i32
      %scan3A_123 = arith.constant 1 : i32
      %scan3A_124:2 = scf.for %scan3A_126 = %scan3A_120 to %scan3A_122 step %scan3A_123 iter_args(%scan3A_127 = %scan3A_89#0, %scan3A_128 = %scan3A_89#1) -> (vector<16xi32>, vector<16xi32>)  : i32 {
        %mul3A_129 = arith.constant 16 : i32
        %mul3A_130 = arith.muli %scan3A_126, %mul3A_129 : i32
        %get3A = arith.constant 0 : i32
        %get3A_131 = arith.index_cast %get3A : i32 to index
        %get3A_132 = arith.index_cast %mul3A_130 : i32 to index
        %get3A_133 = tpu.vector_load %arg6[%get3A_131, %get3A_132] {strides = array<i32>} : memref<16x1024xi32, #tpu.memory_space<vmem>>, vector<16xi32>,
        %get3A_134 = arith.constant 0 : i32
        %get3A_135 = arith.index_cast %get3A_134 : i32 to index
        %get3A_136 = arith.index_cast %mul3A_130 : i32 to index
        %get3A_137 = tpu.vector_load %arg8[%get3A_135, %get3A_136] {strides = array<i32>} : memref<16x1024xi32, #tpu.memory_space<vmem>>, vector<16xi32>,
        %ne3A_138 = arith.cmpi ne, %get3A_133, %get3A_137 : vector<16xi32>
        %all_reduce_population_count3A = tpu.all_reduce %ne3A_138 {dim = 0 : i64, kind = #tpu.reduction_kind<sum>} : vector<16xi1> -> vector<16xi32>
        %add3A_139 = arith.addi %scan3A_127, %all_reduce_population_count3A : vector<16xi32>
        %get3A_140 = arith.constant 1 : i32
        %get3A_141 = arith.index_cast %get3A_140 : i32 to index
        %get3A_142 = arith.index_cast %mul3A_130 : i32 to index
        %get3A_143 = tpu.vector_load %arg6[%get3A_141, %get3A_142] {strides = array<i32>} : memref<16x1024xi32, #tpu.memory_space<vmem>>, vector<16xi32>,
        %get3A_144 = arith.constant 1 : i32
        %get3A_145 = arith.index_cast %get3A_144 : i32 to index
        %get3A_146 = arith.index_cast %mul3A_130 : i32 to index
        %get3A_147 = tpu.vector_load %arg8[%get3A_145, %get3A_146] {strides = array<i32>} : memref<16x1024xi32, #tpu.memory_space<vmem>>, vector<16xi32>,
        %ne3A_148 = arith.cmpi ne, %get3A_143, %get3A_147 : vector<16xi32>
        %all_reduce_population_count3A_149 = tpu.all_reduce %ne3A_148 {dim = 0 : i64, kind = #tpu.reduction_kind<sum>} : vector<16xi1> -> vector<16xi32>
        %add3A_150 = arith.addi %scan3A_128, %all_reduce_population_count3A_149 : vector<16xi32>
        %get3A_151 = arith.constant 2 : i32
        %get3A_152 = arith.index_cast %get3A_151 : i32 to index
        %get3A_153 = arith.index_cast %mul3A_130 : i32 to index
        %get3A_154 = tpu.vector_load %arg6[%get3A_152, %get3A_153] {strides = array<i32>} : memref<16x1024xi32, #tpu.memory_space<vmem>>, vector<16xi32>,
        %get3A_155 = arith.constant 2 : i32
        %get3A_156 = arith.index_cast %get3A_155 : i32 to index
        %get3A_157 = arith.index_cast %mul3A_130 : i32 to index
        %get3A_158 = tpu.vector_load %arg8[%get3A_156, %get3A_157] {strides = array<i32>} : memref<16x1024xi32, #tpu.memory_space<vmem>>, vector<16xi32>,
        %ne3A_159 = arith.cmpi ne, %get3A_154, %get3A_158 : vector<16xi32>
        %all_reduce_population_count3A_160 = tpu.all_reduce %ne3A_159 {dim = 0 : i64, kind = #tpu.reduction_kind<sum>} : vector<16xi1> -> vector<16xi32>
        %add3A_161 = arith.addi %add3A_139, %all_reduce_population_count3A_160 : vector<16xi32>
        %get3A_162 = arith.constant 3 : i32
        %get3A_163 = arith.index_cast %get3A_162 : i32 to index
        %get3A_164 = arith.index_cast %mul3A_130 : i32 to index
        %get3A_165 = tpu.vector_load %arg6[%get3A_163, %get3A_164] {strides = array<i32>} : memref<16x1024xi32, #tpu.memory_space<vmem>>, vector<16xi32>,
        %get3A_166 = arith.constant 3 : i32
        %get3A_167 = arith.index_cast %get3A_166 : i32 to index
        %get3A_168 = arith.index_cast %mul3A_130 : i32 to index
        %get3A_169 = tpu.vector_load %arg8[%get3A_167, %get3A_168] {strides = array<i32>} : memref<16x1024xi32, #tpu.memory_space<vmem>>, vector<16xi32>,
        %ne3A_170 = arith.cmpi ne, %get3A_165, %get3A_169 : vector<16xi32>
        %all_reduce_population_count3A_171 = tpu.all_reduce %ne3A_170 {dim = 0 : i64, kind = #tpu.reduction_kind<sum>} : vector<16xi1> -> vector<16xi32>
        %add3A_172 = arith.addi %add3A_150, %all_reduce_population_count3A_171 : vector<16xi32>
        %get3A_173 = arith.constant 4 : i32
        %get3A_174 = arith.index_cast %get3A_173 : i32 to index
        %get3A_175 = arith.index_cast %mul3A_130 : i32 to index
        %get3A_176 = tpu.vector_load %arg6[%get3A_174, %get3A_175] {strides = array<i32>} : memref<16x1024xi32, #tpu.memory_space<vmem>>, vector<16xi32>,
        %get3A_177 = arith.constant 4 : i32
        %get3A_178 = arith.index_cast %get3A_177 : i32 to index
        %get3A_179 = arith.index_cast %mul3A_130 : i32 to index
        %get3A_180 = tpu.vector_load %arg8[%get3A_178, %get3A_179] {strides = array<i32>} : memref<16x1024xi32, #tpu.memory_space<vmem>>, vector<16xi32>,
        %ne3A_181 = arith.cmpi ne, %get3A_176, %get3A_180 : vector<16xi32>
        %all_reduce_population_count3A_182 = tpu.all_reduce %ne3A_181 {dim = 0 : i64, kind = #tpu.reduction_kind<sum>} : vector<16xi1> -> vector<16xi32>
        %add3A_183 = arith.addi %add3A_161, %all_reduce_population_count3A_182 : vector<16xi32>
        %get3A_184 = arith.constant 5 : i32
        %get3A_185 = arith.index_cast %get3A_184 : i32 to index
        %get3A_186 = arith.index_cast %mul3A_130 : i32 to index
        %get3A_187 = tpu.vector_load %arg6[%get3A_185, %get3A_186] {strides = array<i32>} : memref<16x1024xi32, #tpu.memory_space<vmem>>, vector<16xi32>,
        %get3A_188 = arith.constant 5 : i32
        %get3A_189 = arith.index_cast %get3A_188 : i32 to index
        %get3A_190 = arith.index_cast %mul3A_130 : i32 to index
        %get3A_191 = tpu.vector_load %arg8[%get3A_189, %get3A_190] {strides = array<i32>} : memref<16x1024xi32, #tpu.memory_space<vmem>>, vector<16xi32>,
        %ne3A_192 = arith.cmpi ne, %get3A_187, %get3A_191 : vector<16xi32>
        %all_reduce_population_count3A_193 = tpu.all_reduce %ne3A_192 {dim = 0 : i64, kind = #tpu.reduction_kind<sum>} : vector<16xi1> -> vector<16xi32>
        %add3A_194 = arith.addi %add3A_172, %all_reduce_population_count3A_193 : vector<16xi32>
        %get3A_195 = arith.constant 6 : i32
        %get3A_196 = arith.index_cast %get3A_195 : i32 to index
        %get3A_197 = arith.index_cast %mul3A_130 : i32 to index
        %get3A_198 = tpu.vector_load %arg6[%get3A_196, %get3A_197] {strides = array<i32>} : memref<16x1024xi32, #tpu.memory_space<vmem>>, vector<16xi32>,
        %get3A_199 = arith.constant 6 : i32
        %get3A_200 = arith.index_cast %get3A_199 : i32 to index
        %get3A_201 = arith.index_cast %mul3A_130 : i32 to index
        %get3A_202 = tpu.vector_load %arg8[%get3A_200, %get3A_201] {strides = array<i32>} : memref<16x1024xi32, #tpu.memory_space<vmem>>, vector<16xi32>,
        %ne3A_203 = arith.cmpi ne, %get3A_198, %get3A_202 : vector<16xi32>
        %all_reduce_population_count3A_204 = tpu.all_reduce %ne3A_203 {dim = 0 : i64, kind = #tpu.reduction_kind<sum>} : vector<16xi1> -> vector<16xi32>
        %add3A_205 = arith.addi %add3A_183, %all_reduce_population_count3A_204 : vector<16xi32>
        %get3A_206 = arith.constant 7 : i32
        %get3A_207 = arith.index_cast %get3A_206 : i32 to index
        %get3A_208 = arith.index_cast %mul3A_130 : i32 to index
        %get3A_209 = tpu.vector_load %arg6[%get3A_207, %get3A_208] {strides = array<i32>} : memref<16x1024xi32, #tpu.memory_space<vmem>>, vector<16xi32>,
        %get3A_210 = arith.constant 7 : i32
        %get3A_211 = arith.index_cast %get3A_210 : i32 to index
        %get3A_212 = arith.index_cast %mul3A_130 : i32 to index
        %get3A_213 = tpu.vector_load %arg8[%get3A_211, %get3A_212] {strides = array<i32>} : memref<16x1024xi32, #tpu.memory_space<vmem>>, vector<16xi32>,
        %ne3A_214 = arith.cmpi ne, %get3A_209, %get3A_213 : vector<16xi32>
        %all_reduce_population_count3A_215 = tpu.all_reduce %ne3A_214 {dim = 0 : i64, kind = #tpu.reduction_kind<sum>} : vector<16xi1> -> vector<16xi32>
        %add3A_216 = arith.addi %add3A_194, %all_reduce_population_count3A_215 : vector<16xi32>
        %get3A_217 = arith.constant 8 : i32
        %get3A_218 = arith.index_cast %get3A_217 : i32 to index
        %get3A_219 = arith.index_cast %mul3A_130 : i32 to index
        %get3A_220 = tpu.vector_load %arg6[%get3A_218, %get3A_219] {strides = array<i32>} : memref<16x1024xi32, #tpu.memory_space<vmem>>, vector<16xi32>,
        %get3A_221 = arith.constant 8 : i32
        %get3A_222 = arith.index_cast %get3A_221 : i32 to index
        %get3A_223 = arith.index_cast %mul3A_130 : i32 to index
        %get3A_224 = tpu.vector_load %arg8[%get3A_222, %get3A_223] {strides = array<i32>} : memref<16x1024xi32, #tpu.memory_space<vmem>>, vector<16xi32>,
        %ne3A_225 = arith.cmpi ne, %get3A_220, %get3A_224 : vector<16xi32>
        %all_reduce_population_count3A_226 = tpu.all_reduce %ne3A_225 {dim = 0 : i64, kind = #tpu.reduction_kind<sum>} : vector<16xi1> -> vector<16xi32>
        %add3A_227 = arith.addi %add3A_205, %all_reduce_population_count3A_226 : vector<16xi32>
        %get3A_228 = arith.constant 9 : i32
        %get3A_229 = arith.index_cast %get3A_228 : i32 to index
        %get3A_230 = arith.index_cast %mul3A_130 : i32 to index
        %get3A_231 = tpu.vector_load %arg6[%get3A_229, %get3A_230] {strides = array<i32>} : memref<16x1024xi32, #tpu.memory_space<vmem>>, vector<16xi32>,
        %get3A_232 = arith.constant 9 : i32
        %get3A_233 = arith.index_cast %get3A_232 : i32 to index
        %get3A_234 = arith.index_cast %mul3A_130 : i32 to index
        %get3A_235 = tpu.vector_load %arg8[%get3A_233, %get3A_234] {strides = array<i32>} : memref<16x1024xi32, #tpu.memory_space<vmem>>, vector<16xi32>,
        %ne3A_236 = arith.cmpi ne, %get3A_231, %get3A_235 : vector<16xi32>
        %all_reduce_population_count3A_237 = tpu.all_reduce %ne3A_236 {dim = 0 : i64, kind = #tpu.reduction_kind<sum>} : vector<16xi1> -> vector<16xi32>
        %add3A_238 = arith.addi %add3A_216, %all_reduce_population_count3A_237 : vector<16xi32>
        %get3A_239 = arith.constant 10 : i32
        %get3A_240 = arith.index_cast %get3A_239 : i32 to index
        %get3A_241 = arith.index_cast %mul3A_130 : i32 to index
        %get3A_242 = tpu.vector_load %arg6[%get3A_240, %get3A_241] {strides = array<i32>} : memref<16x1024xi32, #tpu.memory_space<vmem>>, vector<16xi32>,
        %get3A_243 = arith.constant 10 : i32
        %get3A_244 = arith.index_cast %get3A_243 : i32 to index
        %get3A_245 = arith.index_cast %mul3A_130 : i32 to index
        %get3A_246 = tpu.vector_load %arg8[%get3A_244, %get3A_245] {strides = array<i32>} : memref<16x1024xi32, #tpu.memory_space<vmem>>, vector<16xi32>,
        %ne3A_247 = arith.cmpi ne, %get3A_242, %get3A_246 : vector<16xi32>
        %all_reduce_population_count3A_248 = tpu.all_reduce %ne3A_247 {dim = 0 : i64, kind = #tpu.reduction_kind<sum>} : vector<16xi1> -> vector<16xi32>
        %add3A_249 = arith.addi %add3A_227, %all_reduce_population_count3A_248 : vector<16xi32>
        %get3A_250 = arith.constant 11 : i32
        %get3A_251 = arith.index_cast %get3A_250 : i32 to index
        %get3A_252 = arith.index_cast %mul3A_130 : i32 to index
        %get3A_253 = tpu.vector_load %arg6[%get3A_251, %get3A_252] {strides = array<i32>} : memref<16x1024xi32, #tpu.memory_space<vmem>>, vector<16xi32>,
        %get3A_254 = arith.constant 11 : i32
        %get3A_255 = arith.index_cast %get3A_254 : i32 to index
        %get3A_256 = arith.index_cast %mul3A_130 : i32 to index
        %get3A_257 = tpu.vector_load %arg8[%get3A_255, %get3A_256] {strides = array<i32>} : memref<16x1024xi32, #tpu.memory_space<vmem>>, vector<16xi32>,
        %ne3A_258 = arith.cmpi ne, %get3A_253, %get3A_257 : vector<16xi32>
        %all_reduce_population_count3A_259 = tpu.all_reduce %ne3A_258 {dim = 0 : i64, kind = #tpu.reduction_kind<sum>} : vector<16xi1> -> vector<16xi32>
        %add3A_260 = arith.addi %add3A_238, %all_reduce_population_count3A_259 : vector<16xi32>
        %get3A_261 = arith.constant 12 : i32
        %get3A_262 = arith.index_cast %get3A_261 : i32 to index
        %get3A_263 = arith.index_cast %mul3A_130 : i32 to index
        %get3A_264 = tpu.vector_load %arg6[%get3A_262, %get3A_263] {strides = array<i32>} : memref<16x1024xi32, #tpu.memory_space<vmem>>, vector<16xi32>,
        %get3A_265 = arith.constant 12 : i32
        %get3A_266 = arith.index_cast %get3A_265 : i32 to index
        %get3A_267 = arith.index_cast %mul3A_130 : i32 to index
        %get3A_268 = tpu.vector_load %arg8[%get3A_266, %get3A_267] {strides = array<i32>} : memref<16x1024xi32, #tpu.memory_space<vmem>>, vector<16xi32>,
        %ne3A_269 = arith.cmpi ne, %get3A_264, %get3A_268 : vector<16xi32>
        %all_reduce_population_count3A_270 = tpu.all_reduce %ne3A_269 {dim = 0 : i64, kind = #tpu.reduction_kind<sum>} : vector<16xi1> -> vector<16xi32>
        %add3A_271 = arith.addi %add3A_249, %all_reduce_population_count3A_270 : vector<16xi32>
        %get3A_272 = arith.constant 13 : i32
        %get3A_273 = arith.index_cast %get3A_272 : i32 to index
        %get3A_274 = arith.index_cast %mul3A_130 : i32 to index
        %get3A_275 = tpu.vector_load %arg6[%get3A_273, %get3A_274] {strides = array<i32>} : memref<16x1024xi32, #tpu.memory_space<vmem>>, vector<16xi32>,
        %get3A_276 = arith.constant 13 : i32
        %get3A_277 = arith.index_cast %get3A_276 : i32 to index
        %get3A_278 = arith.index_cast %mul3A_130 : i32 to index
        %get3A_279 = tpu.vector_load %arg8[%get3A_277, %get3A_278] {strides = array<i32>} : memref<16x1024xi32, #tpu.memory_space<vmem>>, vector<16xi32>,
        %ne3A_280 = arith.cmpi ne, %get3A_275, %get3A_279 : vector<16xi32>
        %all_reduce_population_count3A_281 = tpu.all_reduce %ne3A_280 {dim = 0 : i64, kind = #tpu.reduction_kind<sum>} : vector<16xi1> -> vector<16xi32>
        %add3A_282 = arith.addi %add3A_260, %all_reduce_population_count3A_281 : vector<16xi32>
        %get3A_283 = arith.constant 14 : i32
        %get3A_284 = arith.index_cast %get3A_283 : i32 to index
        %get3A_285 = arith.index_cast %mul3A_130 : i32 to index
        %get3A_286 = tpu.vector_load %arg6[%get3A_284, %get3A_285] {strides = array<i32>} : memref<16x1024xi32, #tpu.memory_space<vmem>>, vector<16xi32>,
        %get3A_287 = arith.constant 14 : i32
        %get3A_288 = arith.index_cast %get3A_287 : i32 to index
        %get3A_289 = arith.index_cast %mul3A_130 : i32 to index
        %get3A_290 = tpu.vector_load %arg8[%get3A_288, %get3A_289] {strides = array<i32>} : memref<16x1024xi32, #tpu.memory_space<vmem>>, vector<16xi32>,
        %ne3A_291 = arith.cmpi ne, %get3A_286, %get3A_290 : vector<16xi32>
        %all_reduce_population_count3A_292 = tpu.all_reduce %ne3A_291 {dim = 0 : i64, kind = #tpu.reduction_kind<sum>} : vector<16xi1> -> vector<16xi32>
        %add3A_293 = arith.addi %add3A_271, %all_reduce_population_count3A_292 : vector<16xi32>
        %get3A_294 = arith.constant 15 : i32
        %get3A_295 = arith.index_cast %get3A_294 : i32 to index
        %get3A_296 = arith.index_cast %mul3A_130 : i32 to index
        %get3A_297 = tpu.vector_load %arg6[%get3A_295, %get3A_296] {strides = array<i32>} : memref<16x1024xi32, #tpu.memory_space<vmem>>, vector<16xi32>,
        %get3A_298 = arith.constant 15 : i32
        %get3A_299 = arith.index_cast %get3A_298 : i32 to index
        %get3A_300 = arith.index_cast %mul3A_130 : i32 to index
        %get3A_301 = tpu.vector_load %arg8[%get3A_299, %get3A_300] {strides = array<i32>} : memref<16x1024xi32, #tpu.memory_space<vmem>>, vector<16xi32>,
        %ne3A_302 = arith.cmpi ne, %get3A_297, %get3A_301 : vector<16xi32>
        %all_reduce_population_count3A_303 = tpu.all_reduce %ne3A_302 {dim = 0 : i64, kind = #tpu.reduction_kind<sum>} : vector<16xi1> -> vector<16xi32>
        %add3A_304 = arith.addi %add3A_282, %all_reduce_population_count3A_303 : vector<16xi32>
        scf.yield %add3A_293, %add3A_304 : vector<16xi32>, vector<16xi32>
      }
      %scan3A_125 = arith.constant 64 : i32
      scf.yield %scan3A_124#0, %scan3A_124#1 : vector<16xi32>, vector<16xi32>
    }
    %scan3A_53 = arith.constant 3 : i32
    %add3A_54 = arith.addi %scan3A_52#0, %scan3A_52#1 : vector<16xi32>
    %swap3A = arith.constant 0 : index
    %swap3A_55 = tpu.vector_load %arg9[%swap3A] {strides = array<i32>} : memref<16xi32, #tpu.memory_space<vmem>>, vector<16xi32>,
    tpu.vector_store %arg9[%swap3A], %add3A_54 {strides = array<i32>} : memref<16xi32, #tpu.memory_space<vmem>>, vector<16xi32>,
    "tpu.region"() ({
      %run_scoped3A = tpu.sem_alloc : memref<!tpu.dma_semaphore, #tpu.memory_space<semaphore_mem>>
      %dma_start3A_56 = arith.constant 0 : i32
      %dma_start3A_57 = tpu.memref_slice %arg4[%add3A, %dma_start3A_56] : memref<32x16xi32, #tpu.memory_space<hbm>> -> memref<1x16xi32, #tpu.memory_space<hbm>>
      %dma_start3A_58 = tpu.memref_squeeze %dma_start3A_57 : memref<1x16xi32, #tpu.memory_space<hbm>> -> memref<16xi32, #tpu.memory_space<hbm>>
      %dma_start3A_59 = arith.constant 0 : i32
      %dma_start3A_60 = tpu.memref_slice %arg4[%add3A, %dma_start3A_59] : memref<32x16xi32, #tpu.memory_space<hbm>> -> memref<1x16xi32, #tpu.memory_space<hbm>>
      %dma_start3A_61 = tpu.memref_squeeze %dma_start3A_60 : memref<1x16xi32, #tpu.memory_space<hbm>> -> memref<16xi32, #tpu.memory_space<hbm>>
      tpu.enqueue_dma source(%arg9 : memref<16xi32, #tpu.memory_space<vmem>>) target(%dma_start3A_61 : memref<16xi32, #tpu.memory_space<hbm>>) target_semaphore(%run_scoped3A : memref<!tpu.dma_semaphore, #tpu.memory_space<semaphore_mem>>)
      %dma_wait3A = arith.constant 0 : i32
      %dma_wait3A_62 = tpu.memref_slice %arg4[%add3A, %dma_wait3A] : memref<32x16xi32, #tpu.memory_space<hbm>> -> memref<1x16xi32, #tpu.memory_space<hbm>>
      %dma_wait3A_63 = tpu.memref_squeeze %dma_wait3A_62 : memref<1x16xi32, #tpu.memory_space<hbm>> -> memref<16xi32, #tpu.memory_space<hbm>>
      %dma_wait3A_64 = arith.constant 0 : i32
      %dma_wait3A_65 = tpu.memref_slice %arg4[%add3A, %dma_wait3A_64] : memref<32x16xi32, #tpu.memory_space<hbm>> -> memref<1x16xi32, #tpu.memory_space<hbm>>
      %dma_wait3A_66 = tpu.memref_squeeze %dma_wait3A_65 : memref<1x16xi32, #tpu.memory_space<hbm>> -> memref<16xi32, #tpu.memory_space<hbm>>
      tpu.wait_dma2 semaphore(%run_scoped3A : memref<!tpu.dma_semaphore, #tpu.memory_space<semaphore_mem>>) src(%arg9 : memref<16xi32, #tpu.memory_space<vmem>>) dst(%dma_wait3A_66 : memref<16xi32, #tpu.memory_space<hbm>>)
      tpu.yield
    }) : () -> ()
    return
  }
}

module attributes {stable_mosaic.version = 14 : i64} {
  func.func @_tc_body(%arg0: i32, %arg1: memref<1x1024x1024xi32, #tpu.memory_space<vmem>>, %arg2: memref<1x1024x1024xi32, #tpu.memory_space<vmem>>, %arg3: memref<1x1xi32, #tpu.memory_space<smem>>) attributes {dimension_semantics = [#tpu.dimension_semantics<arbitrary>], iteration_bounds = array<i64: 5>, scalar_prefetch = 0 : i64, scratch_operands = 0 : i64, tpu.core_type = #tpu.core_type<tc>, window_params = [{transform_indices = @transform_0, window_bounds = array<i64: 1, 1024, 1024>}, {transform_indices = @transform_1, window_bounds = array<i64: 1, 1024, 1024>}, {transform_indices = @transform_2, window_bounds = array<i64: 1, 1>}]} {
    %eq3A = arith.constant 0 : i32
    %eq3A_0 = arith.cmpi eq, %arg0, %eq3A : i32
    %convert_element_type3A = arith.extui %eq3A_0 : i1 to i32
    %cond3A = arith.constant 0 : i32
    %cond3A_1 = arith.cmpi ne, %convert_element_type3A, %cond3A : i32
    scf.if %cond3A_1 {
      %swap3A_19 = arith.constant 0 : i32
      %swap3A_20 = arith.constant 0 : index
      %swap3A_21 = arith.constant 0 : index
      %swap3A_22 = memref.load %arg3[%swap3A_20, %swap3A_21] : memref<1x1xi32, #tpu.memory_space<smem>>
      memref.store %swap3A_19, %arg3[%swap3A_20, %swap3A_21] : memref<1x1xi32, #tpu.memory_space<smem>>
    } else {
    }
    %get3A = arith.constant 0 : index
    %get3A_2 = arith.constant 0 : index
    %get3A_3 = arith.constant 0 : index
    %get3A_4 = vector.load %arg1[%get3A, %get3A_2, %get3A_3] : memref<1x1024x1024xi32, #tpu.memory_space<vmem>>, vector<1x1024x1024xi32>
    %get3A_5 = arith.constant 0 : index
    %get3A_6 = arith.constant 0 : index
    %get3A_7 = arith.constant 0 : index
    %get3A_8 = vector.load %arg2[%get3A_5, %get3A_6, %get3A_7] : memref<1x1024x1024xi32, #tpu.memory_space<vmem>>, vector<1x1024x1024xi32>
    %ne3A = arith.cmpi ne, %get3A_4, %get3A_8 : vector<1x1024x1024xi32>
    %convert_element_type3A_9 = arith.extui %ne3A : vector<1x1024x1024xi1> to vector<1x1024x1024xi32>
    %get3A_10 = arith.constant 0 : index
    %get3A_11 = arith.constant 0 : index
    %get3A_12 = memref.load %arg3[%get3A_10, %get3A_11] : memref<1x1xi32, #tpu.memory_space<smem>>
    %reduce_sum3A = vector.shape_cast %convert_element_type3A_9 : vector<1x1024x1024xi32> to vector<1x1x1024x1024xi32>
    %reduce_sum3A_13 = arith.constant dense<0> : vector<1xi32>
    %reduce_sum3A_14 = vector.multi_reduction <add>, %reduce_sum3A, %reduce_sum3A_13 [1, 2, 3] : vector<1x1x1024x1024xi32> to vector<1xi32>
    %reduce_sum3A_15 = vector.shape_cast %reduce_sum3A_14 : vector<1xi32> to vector<1x1x1x1xi32>
    %reduce_sum3A_16 = vector.extract %reduce_sum3A_15[0, 0, 0, 0] : i32 from vector<1x1x1x1xi32>
    %add3A = arith.addi %get3A_12, %reduce_sum3A_16 : i32
    %swap3A = arith.constant 0 : index
    %swap3A_17 = arith.constant 0 : index
    %swap3A_18 = memref.load %arg3[%swap3A, %swap3A_17] : memref<1x1xi32, #tpu.memory_space<smem>>
    memref.store %add3A, %arg3[%swap3A, %swap3A_17] : memref<1x1xi32, #tpu.memory_space<smem>>
    return
  }
  func.func @transform_0(%arg0: i32) -> (i32, i32, i32) {
    %add3A = arith.constant 3 : i32
    %add3A_0 = arith.addi %add3A, %arg0 : i32
    %c0_i32 = arith.constant 0 : i32
    %c0_i32_1 = arith.constant 0 : i32
    %c0_i32_2 = arith.constant 0 : i32
    return %add3A_0, %c0_i32, %c0_i32_1 : i32, i32, i32
  }
  func.func @transform_1(%arg0: i32) -> (i32, i32, i32) {
    %add3A = arith.constant 3 : i32
    %add3A_0 = arith.addi %add3A, %arg0 : i32
    %c0_i32 = arith.constant 0 : i32
    %c0_i32_1 = arith.constant 0 : i32
    %c0_i32_2 = arith.constant 0 : i32
    return %add3A_0, %c0_i32, %c0_i32_1 : i32, i32, i32
  }
  func.func @transform_2(%arg0: i32) -> (i32, i32) {
    %c0_i32 = arith.constant 0 : i32
    %c0_i32_0 = arith.constant 0 : i32
    %c0_i32_1 = arith.constant 0 : i32
    return %c0_i32, %c0_i32_0 : i32, i32
  }
}

</mosaic_0001>

<sc_bundles>
// kernel: _mismatch_count.4.cloned.1.call-start
scs
__scs_entry_jumppad:
0x0: {  	(pc) =	sbr.rel $0x88, $3  }
0x1: {  	(tag) =	ssettag $0x0;
	lr =	simm.s32 $0x1  }
0x2: {  	[smem:$0x3F9F] =	sst lr;
	_ =	strace $0xD0000000  }
0x3: {  	_ = 	snop  }
0x4: {  	_ = 	snop  }
0x5: {  	_ = 	snop  }
0x6: {  	_ = 	snop  }
0x7: {  	_ = 	snop  }
__scs_overlays_trampoline_lowered:
0x8: {  	[smem:$0x3FAE] =	sst s0  }
0x9: {  	[smem:$0x3FAF] =	sst s1  }
0xa: {  	[smem:$0x3FB0] =	sst s2  }
0xb: {  	[smem:$0x3FB1] =	sst s3  }
0xc: {  	[smem:$0x3FB2] =	sst s4  }
0xd: {  	[smem:$0x3FB3] =	sst s5  }
0xe: {  	[smem:$0x3FB4] =	sst s6  }
0xf: {  	[smem:$0x3FB5] =	sst s7  }
0x10: {  	[smem:$0x3FB6] =	sst s8  }
0x11: {  	[smem:$0x3FB7] =	sst s9;
	s0 =	simm.s32 @!p0 $0x0  }
0x12: {  	s1 =	sld [smem:$0x3F9D];
	s0 =	simm.s32 @p0 $0x1  }
0x13: {  	[smem:$0x3FB8] =	sst s0;
	s0 =	simm.s32 @!p1 $0x0  }
0x14: {  	s2 =	sld [smem:$0x3F9C];
	s0 =	simm.s32 @p1 $0x1  }
0x15: {  	[smem:$0x3FB9] =	sst s0;
	s0 =	simm.s32 @!p2 $0x0  }
0x16: {  	s3 =	sld [smem:$0x3FDB];
	s0 =	simm.s32 @p2 $0x1  }
0x17: {  	s4 =	simm.s32 $0x1BF5;
	[smem:$0x3FBB] =	sst s0  }
0x18: {  	s0 =	sld [smem:$0x3F9E];
	_ =	swait.ge [sflag:s4], $0x0  }
0x19: {  	s7 =	sld [smem:$0x3F9F]  }
0x1a: {  	s8 =	sadd.s32 $0xFFFFE003, lr  }
0x1b: {  	s9 =	sadd.s32 $0xFFFFFEF7, lr;
	s5 =	simm.s32 $0xFFFFFFFF;
	p2 =	slt.u32 s8, $0xFFFFF086  }
0x1c: {  	p1 =	slt.u32 s9, $0xF7A;
	s5 =	simm.s32 @!p2 $0x0  }
0x1d: {  	s5 =	simm.s32 @p1 $0x1;
	p0 =	seq.s32 s7, s2  }
0x1e: {  	s7 =	smul.u32 @!p0 $0xF7A, s2;
	p2 =	seq.s32 @!p0 s5, $0x0  }
0x1f: {  	s9 =	smul.u32 $0xF7A, s1;
	s8 =	simm.s32 @!p0 $0x1BF5;
	p2 =	por !p2, p0  }
0x20: {  	[sflag:s8] =	ssyncset.s32 @!p0 $0xFFFFF086;
	s6 =	sadd.s32 @!p0 s3, s7;
	s7 =	simm.s32 @!p0 $0x108  }
0x21: {  	s3 =	sadd.s32 s3, s9;
	s6 =	sadd.s32 @!p0 $0x88, s6;
	s7 =	simm.s32 @p2 $0x1082  }
0x22: {  	[simem:s7], [sflag:s8] =	dma.local @!p0 [hbm:s6], $0xF7A  }
0x23: {  	s9 =	sor.u32 $0xD0000000, s2;
	s6 =	simm.s32 $0x108;
	_ =	swait.ge @!p0 [sflag:s8], $0x0  }
0x24: {  	s3 =	sadd.s32 $0x88, s3;
	s6 =	simm.s32 @!p1 $0x1082;
	[sflag:s4] =	ssyncset.s32 $0xFFFFF086  }
0x25: {  	[simem:s6], [sflag:s4] =	dma.local [hbm:s3], $0xF7A  }
0x26: {  	[smem:$0x3F9F] =	sst s1;
	(tag) =	ssettag s2;
	_ =	strace s9  }
0x27: {  	s1 =	sld [smem:$0x3FAF]  }
0x28: {  	s2 =	sld [smem:$0x3FB0]  }
0x29: {  	s4 =	sld [smem:$0x3FB2]  }
0x2a: {  	p0 =	seq.s32 s5, $0x0;
	s5 =	sld [smem:$0x3FB3]  }
0x2b: {  	s6 =	sld [smem:$0x3FB4]  }
0x2c: {  	s7 =	sld [smem:$0x3FB5]  }
0x2d: {  	s3 =	simm.s32 $0x108;
	s8 =	sld [smem:$0x3FB6]  }
0x2e: {  	s3 =	simm.s32 @!p0 $0x1082;
	s9 =	sld [smem:$0x3FB7]  }
0x2f: {  	lr =	sadd.s32 s0, s3;
	s0 =	sld [smem:$0x3FAE]  }
0x30: {  	s3 =	sld [smem:$0x3FB1]  }
0x31: {  	[smem:$0x3FBA] =	sst s10  }
0x32: {  	s10 =	sld [smem:$0x3FB8];
	_ =	sdelay $0x3  }
0x33: {  	p0 =	seq.s32 s10, $0x1;
	s10 =	sld [smem:$0x3FBA];
	_ =	sdelay $0x3  }
0x34: {  	[smem:$0x3FBA] =	sst s10  }
0x35: {  	s10 =	sld [smem:$0x3FB9];
	_ =	sdelay $0x3  }
0x36: {  	p1 =	seq.s32 s10, $0x1;
	s10 =	sld [smem:$0x3FBA];
	_ =	sdelay $0x3  }
0x37: {  	[smem:$0x3FBA] =	sst s10  }
0x38: {  	s10 =	sld [smem:$0x3FBB]  }
0x39: {  	_ = 	snop;
	(pc) =	sbr.ind lr, $3  }
0x3a: {  	_ = 	snop  }
0x3b: {  	_ = 	snop  }
0x3c: {  	p2 =	seq.s32 s10, $0x1;
	s10 =	sld [smem:$0x3FBA]  }
0x3d: {  	_ =	shalt  }
0x3e: {  	_ =	shalt  }
0x3f: {  	_ =	shalt  }
0x40: {  	_ =	shalt  }
0x41: {  	_ =	shalt  }
0x42: {  	_ =	shalt  }
0x43: {  	_ =	shalt  }
0x44: {  	_ =	shalt  }
0x45: {  	_ =	shalt  }
0x46: {  	_ =	shalt  }
0x47: {  	_ =	shalt  }
0x48: {  	_ =	shalt  }
0x49: {  	_ =	shalt  }
0x4a: {  	_ =	shalt  }
0x4b: {  	_ =	shalt  }
0x4c: {  	_ =	shalt  }
0x4d: {  	_ =	shalt  }
0x4e: {  	_ =	shalt  }
0x4f: {  	_ =	shalt  }
0x50: {  	_ =	shalt  }
0x51: {  	_ =	shalt  }
0x52: {  	_ =	shalt  }
0x53: {  	_ =	shalt  }
0x54: {  	_ =	shalt  }
0x55: {  	_ =	shalt  }
0x56: {  	_ =	shalt  }
0x57: {  	_ =	shalt  }
0x58: {  	_ =	shalt  }
0x59: {  	_ =	shalt  }
0x5a: {  	_ =	shalt  }
0x5b: {  	_ =	shalt  }
0x5c: {  	_ =	shalt  }
0x5d: {  	_ =	shalt  }
0x5e: {  	_ =	shalt  }
0x5f: {  	_ =	shalt  }
0x60: {  	_ =	shalt  }
0x61: {  	_ =	shalt  }
0x62: {  	_ =	shalt  }
0x63: {  	_ =	shalt  }
0x64: {  	_ =	shalt  }
0x65: {  	_ =	shalt  }
0x66: {  	_ =	shalt  }
0x67: {  	_ =	shalt  }
0x68: {  	_ =	shalt  }
0x69: {  	_ =	shalt  }
0x6a: {  	_ =	shalt  }
0x6b: {  	_ =	shalt  }
0x6c: {  	_ =	shalt  }
0x6d: {  	_ =	shalt  }
0x6e: {  	_ =	shalt  }
0x6f: {  	_ =	shalt  }
0x70: {  	_ =	shalt  }
0x71: {  	_ =	shalt  }
0x72: {  	_ =	shalt  }
0x73: {  	_ =	shalt  }
0x74: {  	_ =	shalt  }
0x75: {  	_ =	shalt  }
0x76: {  	_ =	shalt  }
0x77: {  	_ =	shalt  }
0x78: {  	_ =	shalt  }
0x79: {  	_ =	shalt  }
0x7a: {  	_ =	shalt  }
0x7b: {  	_ =	shalt  }
0x7c: {  	_ =	shalt  }
0x7d: {  	_ =	shalt  }
0x7e: {  	_ =	shalt  }
0x7f: {  	_ =	shalt  }
0x80: {  	_ =	shalt  }
0x81: {  	_ =	shalt  }
0x82: {  	_ =	shalt  }
0x83: {  	_ =	shalt  }
0x84: {  	_ =	shalt  }
0x85: {  	_ =	shalt  }
0x86: {  	_ =	shalt  }
0x87: {  	_ =	shalt  }
.Lfunc_end0:
.L_simem_size_0:
called_computation_lowered:
.L_overlay_start_0:
0x88: {  	s2 =	sld [smem:$0x3FD9]  }
0x89: {  	s3 =	sld [smem:$0x3FFE];
	_ =	sdelay $0x1  }
0x8a: {  	s1 =	srdreg.scid  }
0x8b: {  	s0 =	sand.u32 $0x1, s1  }
0x8c: {  	s17 =	sshll.u32 s0, $0xA;
	s2 =	sadd.s32 s3, s2  }
0x8d: {  	s2 =	sadd.s32 s2, s17  }
0x8e: {  	[smem:$0x3FC6] =	sst s2  }
0x8f: {  	_ = 	snop  }
0x90: {  	s2 =	sld [smem:$0x3FC9]  }
0x91: {  	s18 =	sld [smem:$0x3FC8];
	(tm) =	ssettm $0x1  }
0x92: {  	s4 =	sld [smem:$0x3FFB];
	_ =	sdelay $0x3  }
0x93: {  	_ =	strace s4  }
0x94: {  	s4 =	sld [smem:$0x3FFC];
	_ =	sdelay $0x3  }
0x95: {  	_ =	strace s4  }
0x96: {  	s4 =	sld [smem:$0x3FFD];
	_ =	sdelay $0x3  }
0x97: {  	_ =	strace s4  }
0x98: {  	_ =	strace $0x8FFFFFFF  }
0x99: {  	s19 =	sld [smem:$0x3FDB];
	_ =	sdelay $0x1  }
0x9a: {  	s5 =	simm.s32 $_scs_section_size  }
0x9b: {  	s6 =	simm.s32 $_size__tile_overlayer_lowered;
	s7 =	simm.s32 $_tile_overlayer_lowered  }
0x9c: {  	s22 =	simm.s32 $0x1BFF;
	s21 =	sshll.u32 s7, $0x1;
	s4 =	sadd.s32 s5, s19  }
0x9d: {  	s8 =	simm.s32 $0x0;
	s20 =	sshll.u32 s6, $0x1;
	s6 =	sadd.s32 s21, s4  }
0x9e: {  	[timem:s8], [sflag:s22] =	dma.local [hbm:s6], s20  }
0x9f: {  	_ =	swait.ge [sflag:s22], s20  }
0xa0: {  	s5 =	ssub.s32 $0x0, s20;
	[sflag:s22] =	ssyncset.done $0x0  }
0xa1: {  	[sflag:s22] =	ssyncadd.s32 s5;
	_ =	sdelay $0x1  }
0xa2: {  	s23 =	simm.s32 $0x1B8B  }
0xa3: {  	_ =	swait.ge [sflag:s23], $0x1  }
0xa4: {  	[sflag:s23] =	ssyncset.done $0x0  }
0xa5: {  	s25 =	simm.s32 $0x1B8E;
	s24 =	sld [smem:$0x3FFE];
	[sflag:s23] =	ssyncadd.s32 $0xFFFFFFFF  }
0xa6: {  	s26 =	simm.s32 $execute0_lowered;
	[smem:$0x3FD2] =	sst s25  }
0xa7: {  	s6 =	sshll.u32 s26, $0x1;
	_ =	strace $0x80000046;
	[dreg:$0x1] =	wrdreg $0xFFFFFFFF  }
0xa8: {  	s28 =	simm.s32 $_size_execute0_lowered;
	s4 =	sadd.s32 s4, s6;
	[dreg:$0x0] =	wrdreg $0x0  }
0xa9: {  	s6 =	sshll.u32 s28, $0x1;
	[dreg:$0x2] =	wrdreg s4  }
0xaa: {  	[dreg:$0x3] =	wrdreg s6  }
0xab: {  	[dreg:$0x4] =	wrdreg $0xC0  }
0xac: {  	_ =	task [dreg:s8], $0x5FFFF  }
0xad: {  	[dreg:$0x1] =	wrdreg $0xFFFFFFFF  }
0xae: {  	[dreg:$0x0] =	wrdreg $0x60  }
0xaf: {  	[dreg:$0x2] =	wrdreg s2  }
0xb0: {  	[dreg:$0x3] =	wrdreg s18  }
0xb1: {  	[dreg:$0x4] =	wrdreg s24  }
0xb2: {  	[dreg:$0x5] =	wrdreg $0x9  }
0xb3: {  	_ =	task.clear_ibuf [dreg:s8], $0x6FFFF;
	_ =	strace $0x90000046  }
0xb4: {  	s29 =	simm.s32 $0x9;
	_ =	strace $0x80000048  }
0xb5: {  	_ =	swait.ge [sflag:s29], $0x1  }
0xb6: {  	[sflag:s29] =	ssyncadd.s32 $0xFFFFFFFF  }
0xb7: {  	_ =	strace $0x90000048  }
0xb8: {  	_ =	sfence  }
0xb9: {  	s30 =	sld [smem:$0x0];
	_ =	sdelay $0x2  }
0xba: {  	s31 =	sshll.u32 s1, $0xD;
	s1 =	sshrl.u32 s1, $0x2  }
0xbb: {  	s3 =	sand.u32 $0x4000, s31;
	s1 =	sadd.s32 s1, s30  }
0xbc: {  	s0 =	sor.u32 s3, s0;
	s1 =	sshll.u32 s1, $0x11  }
0xbd: {  	s0 =	sor.u32 s1, s0  }
0xbe: {  	s0 =	sadd.s32 $0x8F2B, s0  }
0xbf: {  	[sflag:s0] =	ssyncadd.remote.s32 $0x1  }
0xc0: {  	_ =	sfence.sel $0xFFFF  }
0xc1: {  	[dreg:$0x0] =	wrdreg $0xFFFFFFFF;
	(pc) =	sbr.abs _section_cstart, $3  }
0xc2: {  	[dreg:$0x1] =	wrdreg $0xFFFFFFFF  }
0xc3: {  	_ =	task.clear_ibuf [dreg:s8], $0x2FFFF;
	_ =	strace $0x9FFFFFFF  }
0xc4: {  	(tm) =	ssettm $0x7FFFFFFF  }
0xc5: {  	_ =	shalt  }
tec
execute0_lowered:
.L_overlay_start_1:
0x0: {  	(tag) =	ssettag $0x1  }
0x1: {  	s2 =	rddreg [dreg:$0x0]  }
0x2: {  	s3 =	rddreg [dreg:$0x1]  }
0x3: {  	s9 =	rddreg [dreg:$0x2]  }
0x4: {  	s4 =	srdreg.scid;
	s1 =	stileid.u32  }
0x5: {  	s0 =	rddreg [dreg:$0x3];
	s13 =	simm.s32 $0xC000;
	s14 =	simm.s32 $0x1  }
0x6: {  	s15 =	simm.s32 $0x2;
	s16 =	simm.s32 $0x10000;
	s17 =	simm.s32 $0x3  }
0x7: {  	s18 =	simm.s32 $0x0;
	s5 =	sand.u32 $0x1, s4;
	s6 =	sshll.u32 s1, $0x1  }
0x8: {  	s4 =	simm.s32 $0x0;
	s7 =	ssub.s32 $0x2, s5;
	s8 =	sor.u32 s5, s6  }
0x9: {  	[smem:$0x7FF] =	sst s4;
	s31 =	sshrl.u32 s7, $0x1;
	s6 =	smul.u32 $0x3000, s8  }
0xa: {  	_ =	strace $0x80000047;
	s11 =	smul.u32 $0x6, s8;
	s12 =	sshll.u32 s8, $0x4  }
0xb: {  	s10 =	ssub.s32 s7, s31;
	s9 =	sadd.s32 s9, s12;
	s12 =	simm.s32 $0x4000  }
0xc: {  	s5 =	sadd.s32 s2, s6;
	s6 =	sadd.s32 s3, s6;
	s7 =	sor.u32 $0x1, s11  }
0xd: {  	s8 =	sadd.s32 $0x2, s11;
	s10 =	smax.u32 s10, $0x1;
	s11 =	simm.s32 $0x8000  }
.LBB2_1:
0xe: {  	[tilespmem:s4], [sflag:$0x1] =	stream.linear.gather [hbm4b:s5+s4], $0x4000, $0x38;
	[tilespmem:$0x10080] =	vst v63  }
0xf: {  	s19 =	simm.s32 $0x0  }
0x10: {  	v0 =	vimm.s32 $0x0;
	v1 =	vimm.s32 $0x0;
	[tilespmem:s11], [sflag:$0x1] =	stream.linear.gather [hbm4b:s6+s4], $0x4000, $0x38;
	[tilespmem:$0x10080] =	vst v63  }
.LBB2_2:
0x11: {  	s20 =	sshll.u32 s19, $0x1  }
0x12: {  	s21 =	sadd.s32 s20, s7  }
0x13: {  	s21 =	sshll.u32 s21, $0xB  }
0x14: {  	s22 =	sand.u32 $0xFFFF800, s21  }
0x15: {  	s21 =	simm.s32 $0x0;
	s23 =	sadd.s32 s2, s22  }
0x16: {  	[tilespmem:s12], [sflag:$0x2] =	stream.linear.gather [hbm4b:s23+s21], $0x4000, $0x38;
	[tilespmem:$0x10080] =	vst v63  }
0x17: {  	s22 =	sadd.s32 s3, s22  }
0x18: {  	[tilespmem:s13], [sflag:$0x2] =	stream.linear.gather [hbm4b:s22+s21], $0x4000, $0x38;
	[tilespmem:$0x10080] =	vst v63  }
0x19: {  	_ =	swait.ge [sflag:s14], $0x4000  }
0x1a: {  	[sflag:s14] =	ssyncset.done $0x0  }
0x1b: {  	[sflag:s14] =	ssyncadd.s32 $0xFFFFC000  }
0x1c: {  	_ =	swait.ge [sflag:s14], $0x4000  }
0x1d: {  	s29 =	sand.u32 $0x70, s21;
	s30 =	sand.u32 $0x1C00, s21;
	[sflag:s14] =	ssyncset.done $0x0  }
0x1e: {  	s22 =	sor.u32 s29, s30;
	[sflag:s14] =	ssyncadd.s32 $0xFFFFC000  }
0x1f: {  	s31 =	sor.u32 s21, s21;
	v4 =	vld [tilespmem:s22+$0x2300]  }
0x20: {  	s24 =	sor.u32 $0x2380, s31;
	v7 =	vld [tilespmem:s22+$0xA300]  }
0x21: {  	v10 =	vld [tilespmem:s24+$0x0]  }
0x22: {  	v13 =	vld [tilespmem:s24+$0x8000]  }
0x23: {  	v12 =	vld [tilespmem:s22+$0x2200]  }
0x24: {  	v15 =	vld [tilespmem:s22+$0xA200]  }
0x25: {  	v16 =	vld [tilespmem:s22+$0x2280]  }
0x26: {  	v19 =	vld [tilespmem:s22+$0xA280]  }
0x27: {  	v23 =	vld [tilespmem:s22+$0x2100]  }
0x28: {  	v25 =	vld [tilespmem:s22+$0xA100]  }
0x29: {  	v22 =	vld [tilespmem:s22+$0x2180]  }
0x2a: {  	v24 =	vld [tilespmem:s22+$0xA180]  }
0x2b: {  	v27 =	vld [tilespmem:s22+$0x2000]  }
0x2c: {  	v31 =	vld [tilespmem:s22+$0xA000]  }
0x2d: {  	v33 =	vld [tilespmem:s22+$0x2080]  }
0x2e: {  	v34 =	vld [tilespmem:s22+$0xA080]  }
0x2f: {  	v30 =	vld [tilespmem:s22+$0x300]  }
0x30: {  	s23 =	sor.u32 $0x380, s31;
	v32 =	vld [tilespmem:s22+$0x8300]  }
0x31: {  	v26 =	vld [tilespmem:s23+$0x0]  }
0x32: {  	v29 =	vld [tilespmem:s23+$0x8000]  }
0x33: {  	v36 =	vld [tilespmem:s22+$0x200]  }
0x34: {  	v39 =	vld [tilespmem:s22+$0x8200]  }
0x35: {  	v20 =	vld [tilespmem:s22+$0x280]  }
0x36: {  	v35 =	vld [tilespmem:s22+$0x100]  }
0x37: {  	v37 =	vld [tilespmem:s22+$0x8100]  }
0x38: {  	v28 =	vld [tilespmem:s22+$0x180]  }
0x39: {  	v38 =	vld [tilespmem:s22+$0x0]  }
0x3a: {  	v40 =	vld [tilespmem:s22+$0x8000];
	s23 =	simm.s32 $0x10  }
.LBB2_3:
0x3b: {  	p0 =	sne.s32 s23, $0x3F0;
	v2 =	vld [tilespmem:s22+$0x80];
	vm5 =	vne.s32 v4, v7;
	vm0 =	vne.s32 v10, v13  }
0x3c: {  	vm6 =	vne.s32 v23, v25;
	vm7 =	vne.s32 v12, v15;
	vm1 =	vne.s32 v16, v19;
	s21 =	sadd.s32 $0x80, s21;
	v3 =	vld [tilespmem:s22+$0x8080]  }
0x3d: {  	s24 =	sand.u32 $0x70, s23;
	vm8 =	vne.s32 v27, v31;
	vm3 =	vne.s32 v33, v34;
	vm2 =	vne.s32 v22, v24;
	s25 =	sand.u32 $0x1C00, s21;
	v5 =	vld [tilespmem:s22+$0x8180]  }
0x3e: {  	vm9 =	vne.s32 v36, v39;
	vm10 =	vne.s32 v30, v32;
	vm4 =	vne.s32 v26, v29;
	v6 =	vld [tilespmem:s22+$0x8280];
	s22 =	sor.u32 s24, s25  }
0x3f: {  	vm11 =	vne.s32 v35, v37;
	v8 =	vmpcnt.ones.xlane vm7;
	v9 =	vmpcnt.ones.xlane vm5;
	s24 =	sor.u32 s23, s21;
	v4 =	vld [tilespmem:s22+$0x2300]  }
0x40: {  	v11 =	vmpcnt.ones.xlane vm8;
	v14 =	vmpcnt.ones.xlane vm6;
	s25 =	sor.u32 $0x2380, s24;
	vm5 =	vne.s32 v38, v40;
	v7 =	vld [tilespmem:s22+$0xA300]  }
0x41: {  	v10 =	vld [tilespmem:s25+$0x0];
	vm6 =	vne.s32 v2, v3;
	v2 =	vmpcnt.ones.xlane vm9;
	v3 =	vmpcnt.ones.xlane vm10  }
0x42: {  	v16 =	vmpcnt.ones.xlane vm5;
	v13 =	vld [tilespmem:s25+$0x8000];
	v17 =	vmpcnt.ones.xlane vm6;
	vm5 =	vne.s32 v28, v5  }
0x43: {  	v5 =	vmpcnt.ones.xlane vm11;
	v12 =	vld [tilespmem:s22+$0x2200];
	v18 =	vmpcnt.ones.xlane vm5;
	vm5 =	vne.s32 v20, v6  }
0x44: {  	v1 =	vadd.s32 v1, v16;
	v15 =	vld [tilespmem:s22+$0xA200];
	v0 =	vadd.s32 v0, v17;
	v6 =	vmpcnt.ones.xlane vm5  }
0x45: {  	v1 =	vadd.s32 v5, v1;
	v5 =	vmpcnt.ones.xlane vm4;
	v16 =	vld [tilespmem:s22+$0x2280];
	v0 =	vadd.s32 v18, v0  }
0x46: {  	v1 =	vadd.s32 v2, v1;
	v2 =	vmpcnt.ones.xlane vm3;
	v19 =	vld [tilespmem:s22+$0xA280];
	v0 =	vadd.s32 v6, v0  }
0x47: {  	v1 =	vadd.s32 v3, v1;
	v3 =	vmpcnt.ones.xlane vm2;
	v23 =	vld [tilespmem:s22+$0x2100];
	v0 =	vadd.s32 v5, v0  }
0x48: {  	v1 =	vadd.s32 v11, v1;
	v25 =	vld [tilespmem:s22+$0xA100];
	v0 =	vadd.s32 v2, v0;
	v2 =	vmpcnt.ones.xlane vm1  }
0x49: {  	v1 =	vadd.s32 v14, v1;
	v22 =	vld [tilespmem:s22+$0x2180];
	v0 =	vadd.s32 v3, v0;
	v3 =	vmpcnt.ones.xlane vm0  }
0x4a: {  	v1 =	vadd.s32 v8, v1;
	v24 =	vld [tilespmem:s22+$0xA180];
	v0 =	vadd.s32 v2, v0  }
0x4b: {  	v1 =	vadd.s32 v9, v1;
	v27 =	vld [tilespmem:s22+$0x2000];
	v0 =	vadd.s32 v3, v0  }
0x4c: {  	v31 =	vld [tilespmem:s22+$0xA000]  }
0x4d: {  	v33 =	vld [tilespmem:s22+$0x2080]  }
0x4e: {  	v34 =	vld [tilespmem:s22+$0xA080]  }
0x4f: {  	v30 =	vld [tilespmem:s22+$0x300]  }
0x50: {  	s24 =	sor.u32 $0x380, s24;
	v32 =	vld [tilespmem:s22+$0x8300]  }
0x51: {  	v26 =	vld [tilespmem:s24+$0x0]  }
0x52: {  	v29 =	vld [tilespmem:s24+$0x8000]  }
0x53: {  	v36 =	vld [tilespmem:s22+$0x200]  }
0x54: {  	v39 =	vld [tilespmem:s22+$0x8200]  }
0x55: {  	v20 =	vld [tilespmem:s22+$0x280]  }
.Ltmp0:
0x56: {  	v35 =	vld [tilespmem:s22+$0x100];
	(pc) =	sbr.rel @p0 .LBB2_3-.Ltmp0, $4  }
0x57: {  	v37 =	vld [tilespmem:s22+$0x8100]  }
0x58: {  	v28 =	vld [tilespmem:s22+$0x180]  }
0x59: {  	v38 =	vld [tilespmem:s22+$0x0]  }
0x5a: {  	s23 =	sadd.s32 $0x10, s23;
	v40 =	vld [tilespmem:s22+$0x8000]  }
0x5b: {  	p0 =	seq.s32 s19, $0x2  }
0x5c: {  	v41 =	vld [tilespmem:s22+$0x80];
	s20 =	sadd.s32 @!p0 s20, s8  }
0x5d: {  	v42 =	vld [tilespmem:s22+$0x8080];
	s20 =	sshll.u32 @!p0 s20, $0xB  }
0x5e: {  	v43 =	vld [tilespmem:s22+$0x8180];
	s20 =	sand.u32 @!p0 $0xFFFF000, s20  }
0x5f: {  	v44 =	vld [tilespmem:s22+$0x8280];
	s22 =	simm.s32 @!p0 $0x0;
	s21 =	sadd.s32 @!p0 s2, s20  }
0x60: {  	[tilespmem:s22], [sflag:$0x1] =	stream.linear.gather @!p0 [hbm4b:s21+s22], $0x4000, $0x38;
	[tilespmem:$0x10080] =	vst v63  }
0x61: {  	s20 =	sadd.s32 @!p0 s3, s20;
	s21 =	simm.s32 @!p0 $0x8000  }
0x62: {  	[tilespmem:s21], [sflag:$0x1] =	stream.linear.gather @!p0 [hbm4b:s20+s22], $0x4000, $0x38;
	[tilespmem:$0x10080] =	vst v63  }
0x63: {  	_ =	swait.ge [sflag:s15], $0x4000  }
0x64: {  	[sflag:s15] =	ssyncset.done $0x0  }
0x65: {  	[sflag:s15] =	ssyncadd.s32 $0xFFFFC000  }
0x66: {  	s21 =	simm.s32 $0x0;
	_ =	swait.ge [sflag:s15], $0x4000  }
0x67: {  	s29 =	sand.u32 $0x70, s21;
	s30 =	sand.u32 $0x1C00, s21;
	[sflag:s15] =	ssyncset.done $0x0  }
0x68: {  	s20 =	sor.u32 s29, s30;
	[sflag:s15] =	ssyncadd.s32 $0xFFFFC000  }
0x69: {  	s31 =	sor.u32 s21, s21;
	v2 =	vld [tilespmem:s20+$0x6300]  }
0x6a: {  	s23 =	sor.u32 $0x2380, s31;
	v3 =	vld [tilespmem:s20+$0xE300]  }
0x6b: {  	v5 =	vld [tilespmem:s23+$0x4000]  }
0x6c: {  	v8 =	vld [tilespmem:s23+$0xC000]  }
0x6d: {  	v6 =	vld [tilespmem:s20+$0x6200]  }
0x6e: {  	v9 =	vld [tilespmem:s20+$0xE200]  }
0x6f: {  	v11 =	vld [tilespmem:s20+$0x6280]  }
0x70: {  	v14 =	vld [tilespmem:s20+$0xE280]  }
0x71: {  	v18 =	vld [tilespmem:s20+$0x6100]  }
0x72: {  	v21 =	vld [tilespmem:s20+$0xE100]  }
0x73: {  	v17 =	vld [tilespmem:s20+$0x6180]  }
0x74: {  	vm1 =	vne.s32 v4, v7;
	vm0 =	vne.s32 v10, v13;
	v4 =	vld [tilespmem:s20+$0xE180]  }
0x75: {  	vm4 =	vne.s32 v23, v25;
	vm2 =	vne.s32 v12, v15;
	vm3 =	vne.s32 v16, v19;
	v7 =	vld [tilespmem:s20+$0x6000]  }
0x76: {  	vm7 =	vne.s32 v27, v31;
	vm6 =	vne.s32 v33, v34;
	vm5 =	vne.s32 v22, v24;
	v10 =	vld [tilespmem:s20+$0xE000]  }
0x77: {  	vm8 =	vne.s32 v36, v39;
	vm9 =	vne.s32 v30, v32;
	vm14 =	vne.s32 v26, v29;
	v13 =	vld [tilespmem:s20+$0x6080]  }
0x78: {  	vm11 =	vne.s32 v35, v37;
	v26 =	vmpcnt.ones.xlane vm9;
	v27 =	vmpcnt.ones.xlane vm14;
	v16 =	vld [tilespmem:s20+$0xE080]  }
0x79: {  	v29 =	vmpcnt.ones.xlane vm4;
	vm10 =	vne.s32 v38, v40;
	vm12 =	vne.s32 v41, v42;
	v15 =	vld [tilespmem:s20+$0x4300]  }
0x7a: {  	v12 =	vmpcnt.ones.xlane vm10;
	vm13 =	vne.s32 v28, v43;
	v22 =	vmpcnt.ones.xlane vm12;
	s22 =	sor.u32 $0x380, s31;
	v19 =	vld [tilespmem:s20+$0xC300]  }
0x7b: {  	v23 =	vmpcnt.ones.xlane vm11;
	vm15 =	vne.s32 v20, v44;
	v24 =	vmpcnt.ones.xlane vm13;
	v20 =	vld [tilespmem:s22+$0x4000]  }
0x7c: {  	v1 =	vadd.s32 v1, v12;
	v12 =	vmpcnt.ones.xlane vm8;
	v0 =	vadd.s32 v0, v22;
	v22 =	vld [tilespmem:s22+$0xC000]  }
0x7d: {  	v1 =	vadd.s32 v23, v1;
	v23 =	vmpcnt.ones.xlane vm15;
	v0 =	vadd.s32 v24, v0;
	v24 =	vld [tilespmem:s20+$0x4200]  }
0x7e: {  	v30 =	vmpcnt.ones.xlane vm2;
	v28 =	vmpcnt.ones.xlane vm7;
	v1 =	vadd.s32 v12, v1;
	v25 =	vld [tilespmem:s20+$0xC200]  }
0x7f: {  	v0 =	vadd.s32 v23, v0;
	v23 =	vmpcnt.ones.xlane vm6;
	v1 =	vadd.s32 v26, v1;
	v12 =	vld [tilespmem:s20+$0x4280]  }
0x80: {  	v0 =	vadd.s32 v27, v0;
	v1 =	vadd.s32 v28, v1;
	v28 =	vmpcnt.ones.xlane vm5;
	v26 =	vld [tilespmem:s20+$0x4100]  }
0x81: {  	v31 =	vmpcnt.ones.xlane vm3;
	v63 =	vmpcnt.ones.xlane vm0;
	v0 =	vadd.s32 v23, v0;
	v27 =	vld [tilespmem:s20+$0xC100]  }
0x82: {  	v1 =	vadd.s32 v29, v1;
	v29 =	vmpcnt.ones.xlane vm1;
	v0 =	vadd.s32 v28, v0;
	v23 =	vld [tilespmem:s20+$0x4180]  }
0x83: {  	v1 =	vadd.s32 v30, v1;
	v30 =	vadd.s32 v31, v0;
	v28 =	vld [tilespmem:s20+$0x4000]  }
0x84: {  	v0 =	vadd.s32 v29, v1;
	v29 =	vld [tilespmem:s20+$0xC000];
	s22 =	simm.s32 $0x10;
	v1 =	vadd.s32 v63, v30  }
.LBB2_5:
0x85: {  	p0 =	sne.s32 s22, $0x3F0;
	v30 =	vld [tilespmem:s20+$0x4080];
	vm5 =	vne.s32 v2, v3;
	vm0 =	vne.s32 v5, v8  }
0x86: {  	vm6 =	vne.s32 v18, v21;
	vm7 =	vne.s32 v6, v9;
	vm1 =	vne.s32 v11, v14;
	s21 =	sadd.s32 $0x80, s21;
	v8 =	vld [tilespmem:s20+$0xC080]  }
0x87: {  	s23 =	sand.u32 $0x70, s22;
	vm8 =	vne.s32 v7, v10;
	vm3 =	vne.s32 v13, v16;
	vm2 =	vne.s32 v17, v4;
	s24 =	sand.u32 $0x1C00, s21;
	v6 =	vld [tilespmem:s20+$0xC180]  }
0x88: {  	vm9 =	vne.s32 v24, v25;
	vm10 =	vne.s32 v15, v19;
	vm4 =	vne.s32 v20, v22;
	v4 =	vld [tilespmem:s20+$0xC280];
	s20 =	sor.u32 s23, s24  }
0x89: {  	vm11 =	vne.s32 v26, v27;
	v7 =	vmpcnt.ones.xlane vm7;
	v10 =	vmpcnt.ones.xlane vm5;
	s23 =	sor.u32 s22, s21;
	v2 =	vld [tilespmem:s20+$0x6300]  }
0x8a: {  	v13 =	vmpcnt.ones.xlane vm8;
	v15 =	vmpcnt.ones.xlane vm6;
	s24 =	sor.u32 $0x2380, s23;
	vm5 =	vne.s32 v28, v29;
	v3 =	vld [tilespmem:s20+$0xE300]  }
0x8b: {  	v16 =	vmpcnt.ones.xlane vm9;
	v17 =	vmpcnt.ones.xlane vm10;
	v5 =	vld [tilespmem:s24+$0x4000];
	vm6 =	vne.s32 v30, v8  }
0x8c: {  	v11 =	vmpcnt.ones.xlane vm5;
	v8 =	vld [tilespmem:s24+$0xC000];
	v14 =	vmpcnt.ones.xlane vm6;
	vm5 =	vne.s32 v23, v6  }
0x8d: {  	v18 =	vmpcnt.ones.xlane vm11;
	v6 =	vld [tilespmem:s20+$0x6200];
	v19 =	vmpcnt.ones.xlane vm5;
	vm5 =	vne.s32 v12, v4  }
0x8e: {  	v0 =	vadd.s32 v0, v11;
	v9 =	vld [tilespmem:s20+$0xE200];
	v1 =	vadd.s32 v1, v14;
	v4 =	vmpcnt.ones.xlane vm5  }
0x8f: {  	v0 =	vadd.s32 v18, v0;
	v12 =	vmpcnt.ones.xlane vm4;
	v11 =	vld [tilespmem:s20+$0x6280];
	v1 =	vadd.s32 v19, v1  }
0x90: {  	v0 =	vadd.s32 v16, v0;
	v14 =	vld [tilespmem:s20+$0xE280];
	v1 =	vadd.s32 v4, v1;
	v4 =	vmpcnt.ones.xlane vm3  }
0x91: {  	v0 =	vadd.s32 v17, v0;
	v18 =	vld [tilespmem:s20+$0x6100];
	v1 =	vadd.s32 v12, v1;
	v12 =	vmpcnt.ones.xlane vm2  }
0x92: {  	v0 =	vadd.s32 v13, v0;
	v13 =	vmpcnt.ones.xlane vm1;
	v21 =	vld [tilespmem:s20+$0xE100];
	v1 =	vadd.s32 v4, v1  }
0x93: {  	v0 =	vadd.s32 v15, v0;
	v17 =	vld [tilespmem:s20+$0x6180];
	v1 =	vadd.s32 v12, v1;
	v12 =	vmpcnt.ones.xlane vm0  }
0x94: {  	v0 =	vadd.s32 v7, v0;
	v4 =	vld [tilespmem:s20+$0xE180];
	v1 =	vadd.s32 v13, v1  }
0x95: {  	v0 =	vadd.s32 v10, v0;
	v7 =	vld [tilespmem:s20+$0x6000];
	v1 =	vadd.s32 v12, v1  }
0x96: {  	v10 =	vld [tilespmem:s20+$0xE000]  }
0x97: {  	v13 =	vld [tilespmem:s20+$0x6080]  }
0x98: {  	v16 =	vld [tilespmem:s20+$0xE080]  }
0x99: {  	v15 =	vld [tilespmem:s20+$0x4300]  }
0x9a: {  	s23 =	sor.u32 $0x380, s23;
	v19 =	vld [tilespmem:s20+$0xC300]  }
0x9b: {  	v20 =	vld [tilespmem:s23+$0x4000]  }
0x9c: {  	v22 =	vld [tilespmem:s23+$0xC000]  }
0x9d: {  	v24 =	vld [tilespmem:s20+$0x4200]  }
0x9e: {  	v25 =	vld [tilespmem:s20+$0xC200]  }
0x9f: {  	v12 =	vld [tilespmem:s20+$0x4280]  }
.Ltmp1:
0xa0: {  	v26 =	vld [tilespmem:s20+$0x4100];
	(pc) =	sbr.rel @p0 .LBB2_5-.Ltmp1, $4  }
0xa1: {  	v27 =	vld [tilespmem:s20+$0xC100]  }
0xa2: {  	v23 =	vld [tilespmem:s20+$0x4180]  }
0xa3: {  	v28 =	vld [tilespmem:s20+$0x4000]  }
0xa4: {  	s22 =	sadd.s32 $0x10, s22;
	v29 =	vld [tilespmem:s20+$0xC000]  }
0xa5: {  	v30 =	vld [tilespmem:s20+$0x4080];
	vm2 =	vne.s32 v2, v3;
	vm0 =	vne.s32 v5, v8  }
0xa6: {  	v2 =	vld [tilespmem:s20+$0xC080];
	vm3 =	vne.s32 v18, v21;
	vm4 =	vne.s32 v6, v9;
	vm1 =	vne.s32 v11, v14  }
0xa7: {  	v3 =	vld [tilespmem:s20+$0xC180];
	vm5 =	vne.s32 v7, v10;
	vm6 =	vne.s32 v13, v16;
	vm7 =	vne.s32 v17, v4  }
0xa8: {  	vm8 =	vne.s32 v24, v25;
	v56 =	vld [tilespmem:s20+$0xC280];
	vm9 =	vne.s32 v15, v19;
	v57 =	vmpcnt.ones.xlane vm4  }
0xa9: {  	vm10 =	vne.s32 v20, v22;
	v58 =	vmpcnt.ones.xlane vm2;
	v7 =	vmpcnt.ones.xlane vm5  }
0xaa: {  	vm11 =	vne.s32 v26, v27;
	v59 =	vmpcnt.ones.xlane vm3;
	v60 =	vmpcnt.ones.xlane vm9  }
0xab: {  	vm12 =	vne.s32 v28, v29;
	vm13 =	vne.s32 v30, v2;
	v2 =	vmpcnt.ones.xlane vm8  }
0xac: {  	v61 =	vmpcnt.ones.xlane vm12;
	vm14 =	vne.s32 v23, v3;
	v62 =	vmpcnt.ones.xlane vm13  }
0xad: {  	v3 =	vmpcnt.ones.xlane vm11;
	vm15 =	vne.s32 v12, v56;
	v63 =	vmpcnt.ones.xlane vm14  }
0xae: {  	v4 =	vmpcnt.ones.xlane vm15;
	v0 =	vadd.s32 v0, v61;
	v1 =	vadd.s32 v1, v62  }
0xaf: {  	s19 =	sadd.s32 $0x1, s19;
	v0 =	vadd.s32 v3, v0;
	v3 =	vmpcnt.ones.xlane vm10;
	v1 =	vadd.s32 v63, v1  }
0xb0: {  	p0 =	sne.s32 s19, $0x3;
	v0 =	vadd.s32 v2, v0;
	v2 =	vmpcnt.ones.xlane vm6;
	v1 =	vadd.s32 v4, v1  }
.Ltmp2:
0xb1: {  	v0 =	vadd.s32 v60, v0;
	v1 =	vadd.s32 v3, v1;
	v3 =	vmpcnt.ones.xlane vm7;
	(pc) =	sbr.rel @p0 .LBB2_2-.Ltmp2, $4  }
0xb2: {  	v0 =	vadd.s32 v7, v0;
	v1 =	vadd.s32 v2, v1;
	v2 =	vmpcnt.ones.xlane vm1  }
0xb3: {  	v0 =	vadd.s32 v59, v0;
	v1 =	vadd.s32 v3, v1;
	v3 =	vmpcnt.ones.xlane vm0  }
0xb4: {  	v0 =	vadd.s32 v57, v0;
	v2 =	vadd.s32 v2, v1  }
0xb5: {  	v1 =	vadd.s32 v58, v0;
	v0 =	vadd.s32 v3, v2  }
0xb6: {  	s18 =	sadd.s32 $0x1, s18  }
0xb7: {  	v0 =	vadd.s32 v1, v0;
	p0 =	sne.s32 s18, s10  }
.Ltmp3:
0xb8: {  	[tilespmem:$0x10000] =	vst v0;
	(pc) =	sbr.rel @p0 .LBB2_1-.Ltmp3, $4  }
0xb9: {  	[hbm4b:s9+s4] =	stream.linear.scatter [tilespmem:s16], [sflag:$0x3], $0x80, $0x38;
	[tilespmem:$0x10080] =	vst v63  }
0xba: {  	_ =	swait.ge [sflag:s17], $0x80  }
0xbb: {  	[sflag:s17] =	ssyncset.done $0x0  }
0xbc: {  	[sflag:s17] =	ssyncadd.s32 $0xFFFFFF80  }
0xbd: {  	_ =	sfence.sel $0x180000  }
0xbe: {  	[bflag:$0x0] =	sbarrier.arrive $0xFFFF  }
0xbf: {  	p0 =	sne.s32 s1, $0x0;
	_ =	strace $0x90000047  }
0xc0: {  	s0 =	sadd.s32 @!p0 $0x100000, s0;
	[bflag:$0x2] =	sbarrier.arrive $0xFFFF  }
0xc1: {  	[sflag:s0] =	ssyncadd.tile.s32 @!p0 $0x1;
	_ =	shalt  }
.Lfunc_end2:
_tile_overlayer_lowered:
.L_overlay_start_2:
0xc2: {  	(tag) =	ssettag $0x2  }
0xc3: {  	s0 =	rddreg [dreg:$0x0];
	s2 =	stileid.u32  }
0xc4: {  	s1 =	rddreg [dreg:$0x1];
	p0 =	sne.s32 s2, $0x0  }
0xc5: {  	s3 =	rddreg [dreg:$0x2];
	[bflag:$0x3] =	sbarrier.arrive $0xFFFF;
	s2 =	simm.s32 @!p0 $0x1C03  }
0xc6: {  	[timem:s3], [sflag:s2] =	dma.local @!p0 [hbm:s0], s1  }
0xc7: {  	s0 =	simm.s32 @!p0 $0x3  }
0xc8: {  	_ =	swait.ge @!p0 [sflag:s0], s1  }
0xc9: {  	s1 =	ssub.s32 @!p0 $0x0, s1;
	[sflag:s0] =	ssyncset.done @!p0 $0x0  }
0xca: {  	[sflag:s0] =	ssyncadd.s32 @!p0 s1  }
0xcb: {  	[bflag:$0x3] =	sbarrier.arrive $0xFFFF  }
0xcc: {  	_ =	shalt  }

</sc_bundles>
